<compile_context>
chip_gen: v7x
topology: tpu7x:2x2x1
jax: 0.10.2.dev20260603
libtpu: 0.0.44.dev20260713+nightly
codegen_flags: <defaults>
</compile_context>

<pallas_src>
import functools

import jax
import jax.numpy as jnp
from jax import lax
from jax.experimental import pallas as pl
from jax.experimental.pallas import tpu as pltpu
from jax.experimental.pallas import tpu_sc as plsc

CARD = 100000
B, S, NF = 1024, 200, 4
BS = B * S
DIMS = (32, 32, 16, 16)
TOTAL_DIM = 96
EMBED_DIM = 128

NW = 32
LANES = 128
CHUNK_ROWS = 2
CHUNK = CHUNK_ROWS * LANES
NCHUNKS = BS // CHUNK
CPW = NCHUNKS // NW
PAIRS = (CPW - 1) // 2


def _tc_precompute(E0t, E1t, E2t, E3t, Wp, bp2):
    R = 4096
    cdims = (((0,), (0,)), ((), ()))

    def mm(e0_ref, e1_ref, e2_ref, e3_ref, wp_ref, bp_ref,
           p0_ref, p1_ref, p2_ref, p3_ref):
        p0_ref[...] = lax.dot_general(
            e0_ref[...], wp_ref[0:32, :], cdims,
            preferred_element_type=jnp.float32) + bp_ref[...]
        p1_ref[...] = lax.dot_general(
            e1_ref[...], wp_ref[32:64, :], cdims,
            preferred_element_type=jnp.float32)
        p2_ref[...] = lax.dot_general(
            e2_ref[...], wp_ref[64:80, :], cdims,
            preferred_element_type=jnp.float32)
        p3_ref[...] = lax.dot_general(
            e3_ref[...], wp_ref[80:96, :], cdims,
            preferred_element_type=jnp.float32)

    pshape = jax.ShapeDtypeStruct((CARD, EMBED_DIM), jnp.float32)
    return pl.pallas_call(
        mm,
        grid=(pl.cdiv(CARD, R),),
        in_specs=[
            pl.BlockSpec((DIMS[0], R), lambda i: (0, i)),
            pl.BlockSpec((DIMS[1], R), lambda i: (0, i)),
            pl.BlockSpec((DIMS[2], R), lambda i: (0, i)),
            pl.BlockSpec((DIMS[3], R), lambda i: (0, i)),
            pl.BlockSpec((TOTAL_DIM, EMBED_DIM), lambda i: (0, 0)),
            pl.BlockSpec((1, EMBED_DIM), lambda i: (0, 0)),
        ],
        out_specs=[pl.BlockSpec((R, EMBED_DIM), lambda i: (i, 0))] * NF,
        out_shape=[pshape] * NF,
    )(E0t, E1t, E2t, E3t, Wp, bp2)


NB = 3
TRIPLES = (CPW - 1) // NB


def _sc_gather_sum(idx, P0, P1, P2, P3):
    mesh = plsc.VectorSubcoreMesh(core_axis_name="c", subcore_axis_name="s")

    @functools.partial(
        pl.kernel,
        mesh=mesh,
        out_type=jax.ShapeDtypeStruct((BS, EMBED_DIM), jnp.float32),
        scratch_types=[
            pltpu.VMEM((NF, CPW, CHUNK_ROWS, LANES), jnp.int32),
            pltpu.VMEM((CHUNK, EMBED_DIM), jnp.float32),
            pltpu.VMEM((CHUNK, EMBED_DIM), jnp.float32),
            pltpu.VMEM((CHUNK, EMBED_DIM), jnp.float32),
            pltpu.SemaphoreType.DMA((9,)),
        ],
    )
    def gather_kernel(idx_hbm, t0, t1, t2, t3, out, idx_all,
                      buf_a, buf_b, buf_c, sems):
        wid = lax.axis_index("c") * 16 + lax.axis_index("s")
        chunk0 = wid * CPW
        tabs = (t0, t1, t2, t3)
        bufs = (buf_a, buf_b, buf_c)
        F0, ADD, OUT = 0, 3, 6

        for f in range(NF):
            pltpu.sync_copy(idx_hbm.at[f, pl.ds(chunk0, CPW)], idx_all.at[f])

        def fire_f0(b, k):
            for j in range(CHUNK_ROWS):
                pltpu.async_copy(tabs[0].at[idx_all.at[0, k, j]],
                                 bufs[b].at[pl.ds(j * LANES, LANES)],
                                 sems.at[F0 + b])

        def wait_f0(b):
            for j in range(CHUNK_ROWS):
                pltpu.make_async_copy(
                    tabs[0].at[idx_all.at[0, 0, j]],
                    bufs[b].at[pl.ds(j * LANES, LANES)],
                    sems.at[F0 + b]).wait()

        def fire_adds(b, k):
            for f in range(1, NF):
                for j in range(CHUNK_ROWS):
                    pltpu.async_copy(tabs[f].at[idx_all.at[f, k, j]],
                                     bufs[b].at[pl.ds(j * LANES, LANES)],
                                     sems.at[ADD + b], add=True)

        def wait_adds(b):
            for f in range(1, NF):
                for j in range(CHUNK_ROWS):
                    pltpu.make_async_copy(
                        tabs[f].at[idx_all.at[f, 0, j]],
                        bufs[b].at[pl.ds(j * LANES, LANES)],
                        sems.at[ADD + b]).wait()

        def fire_out(b, k):
            pltpu.async_copy(bufs[b],
                             out.at[pl.ds((chunk0 + k) * CHUNK, CHUNK)],
                             sems.at[OUT + b])

        def wait_out(b):
            pltpu.make_async_copy(bufs[b], out.at[pl.ds(0, CHUNK)],
                                  sems.at[OUT + b]).wait()

        fire_f0(0, 0)

        def body(g, carry):
            c = 3 * g
            wait_f0(0)
            fire_adds(0, c)

            @pl.when(g > 0)
            def _():
                wait_out(1)

            fire_f0(1, c + 1)
            wait_adds(0)
            fire_out(0, c)

            wait_f0(1)
            fire_adds(1, c + 1)

            @pl.when(g > 0)
            def _():
                wait_out(2)

            fire_f0(2, c + 2)
            wait_adds(1)
            fire_out(1, c + 1)

            wait_f0(2)
            fire_adds(2, c + 2)
            wait_out(0)
            fire_f0(0, c + 3)
            wait_adds(2)
            fire_out(2, c + 2)
            return carry

        lax.fori_loop(0, TRIPLES, body, 0)

        wait_f0(0)
        fire_adds(0, CPW - 1)
        wait_out(1)
        wait_out(2)
        wait_adds(0)
        fire_out(0, CPW - 1)
        wait_out(0)

    return gather_kernel(idx, P0, P1, P2, P3)


def kernel(tokens, E0, E1, E2, E3, Wp, bp):
    idx = tokens.astype(jnp.int32).reshape(
        NCHUNKS, CHUNK_ROWS, LANES, NF).transpose(3, 0, 1, 2)
    P0, P1, P2, P3 = _tc_precompute(E0.T, E1.T, E2.T, E3.T, Wp,
                                    bp.reshape(1, EMBED_DIM))
    out = _sc_gather_sum(idx, P0, P1, P2, P3)
    return out.reshape(B, S, EMBED_DIM)

# --- scband reference (transcript-rebuilt; emitter-appended) ---
"""Pipeline reference for scband-zeb-embeddings-17454747091506 (READ-ONLY COPY).

The authoritative reference and input builder live on the scoring server;
editing this copy changes nothing except your own understanding.
"""

import jax, jax.numpy as jnp
import numpy as np

CARD = 100000
B, S, NF = 1024, 200, 4
EMBED_DIM = 128
# spec 'v1' assumed: 4 features, 2 'large' (dim=base=32), 2 'small' (dim=base//2=16)
DIMS = [32, 32, 16, 16]
TOTAL_DIM = sum(DIMS)  # 96


def setup_inputs(seed: int = 0) -> dict:
    key = jax.random.key(seed)
    ks = jax.random.split(key, 8)
    tokens = jax.random.randint(ks[0], (B, S, NF), 0, CARD, dtype=jnp.int64 if jax.config.jax_enable_x64 else jnp.int32)
    E0 = jax.random.normal(ks[1], (CARD, DIMS[0]), dtype=jnp.float32) * 0.05
    E1 = jax.random.normal(ks[2], (CARD, DIMS[1]), dtype=jnp.float32) * 0.05
    E2 = jax.random.normal(ks[3], (CARD, DIMS[2]), dtype=jnp.float32) * 0.05
    E3 = jax.random.normal(ks[4], (CARD, DIMS[3]), dtype=jnp.float32) * 0.05
    Wp = jax.random.normal(ks[5], (TOTAL_DIM, EMBED_DIM), dtype=jnp.float32) * 0.05
    bp = jnp.zeros((EMBED_DIM,), dtype=jnp.float32)
    return {"tokens": tokens, "E0": E0, "E1": E1, "E2": E2, "E3": E3, "Wp": Wp, "bp": bp}


def reference(tokens, E0, E1, E2, E3, Wp, bp):
    # per-feature embedding lookup (gather) -> concat -> linear projection
    e0 = jnp.take(E0, tokens[:, :, 0], axis=0)
    e1 = jnp.take(E1, tokens[:, :, 1], axis=0)
    e2 = jnp.take(E2, tokens[:, :, 2], axis=0)
    e3 = jnp.take(E3, tokens[:, :, 3], axis=0)
    x = jnp.concatenate([e0, e1, e2, e3], axis=-1)
    return x @ Wp + bp

if __name__ == "__main__":
    import jax
    _d = setup_inputs()
    print(jax.jit(kernel)(*tuple(_d.values())))

</pallas_src>

<mosaic_0001>
#map = affine_map<(d0, d1) -> (0, 0, 0, 0)>
#map1 = affine_map<(d0, d1) -> (0, 0)>
module attributes {stable_mosaic.version = 14 : i64} {
  func.func @gather_kernel(%arg0: i32, %arg1: i32, %arg2: memref<4x800x2x128xi32, #tpu.memory_space<hbm>>, %arg3: memref<100000x128xf32, #tpu.memory_space<hbm>>, %arg4: memref<100000x128xf32, #tpu.memory_space<hbm>>, %arg5: memref<100000x128xf32, #tpu.memory_space<hbm>>, %arg6: memref<100000x128xf32, #tpu.memory_space<hbm>>, %arg7: memref<204800x128xf32, #tpu.memory_space<hbm>>, %arg8: memref<4x25x2x128xi32, #tpu.memory_space<vmem>>, %arg9: memref<256x128xf32, #tpu.memory_space<vmem>>, %arg10: memref<256x128xf32, #tpu.memory_space<vmem>>, %arg11: memref<256x128xf32, #tpu.memory_space<vmem>>, %arg12: memref<9x!tpu.dma_semaphore, #tpu.memory_space<semaphore_mem>>) attributes {dimension_semantics = [#tpu.dimension_semantics<core_parallel>, #tpu.dimension_semantics<subcore_parallel>], iteration_bounds = array<i64: 2, 16>, scalar_prefetch = 0 : i64, scratch_operands = 5 : i64, tpu.core_type = #tpu.core_type<sc_vector_subcore>, window_params = [{transform_indices = #map}, {transform_indices = #map1}, {transform_indices = #map1}, {transform_indices = #map1}, {transform_indices = #map1}, {transform_indices = #map1}]} {
    %mul3A = arith.constant 16 : i32
    %mul3A_0 = arith.muli %arg0, %mul3A : i32
    %add3A = arith.addi %mul3A_0, %arg1 : i32
    %mul3A_1 = arith.constant 25 : i32
    %mul3A_2 = arith.muli %add3A, %mul3A_1 : i32
    %run_scoped3A = arith.constant 0 : i32
    %run_scoped3A_3 = arith.constant 0 : i32
    "tpu.region"() ({
      %run_scoped3A_291 = tpu.sem_alloc : memref<!tpu.dma_semaphore, #tpu.memory_space<semaphore_mem>>
      %dma_start3A_292 = arith.constant 0 : i32
      %dma_start3A_293 = arith.constant 0 : i32
      %dma_start3A_294 = arith.constant 0 : i32
      %dma_start3A_295 = tpu.memref_slice %arg8[%run_scoped3A_3, %dma_start3A_292, %dma_start3A_293, %dma_start3A_294] : memref<4x25x2x128xi32, #tpu.memory_space<vmem>> -> memref<1x25x2x128xi32, #tpu.memory_space<vmem>>
      %dma_start3A_296 = tpu.memref_squeeze %dma_start3A_295 : memref<1x25x2x128xi32, #tpu.memory_space<vmem>> -> memref<25x2x128xi32, #tpu.memory_space<vmem>>
      %dma_start3A_297 = arith.constant 0 : i32
      %dma_start3A_298 = arith.constant 0 : i32
      %dma_start3A_299 = tpu.memref_slice %arg2[%run_scoped3A, %mul3A_2, %dma_start3A_297, %dma_start3A_298] : memref<4x800x2x128xi32, #tpu.memory_space<hbm>> -> memref<1x25x2x128xi32, #tpu.memory_space<hbm>>
      %dma_start3A_300 = tpu.memref_squeeze %dma_start3A_299 : memref<1x25x2x128xi32, #tpu.memory_space<hbm>> -> memref<25x2x128xi32, #tpu.memory_space<hbm>>
      %dma_start3A_301 = arith.constant 0 : i32
      %dma_start3A_302 = arith.constant 0 : i32
      %dma_start3A_303 = arith.constant 0 : i32
      %dma_start3A_304 = tpu.memref_slice %arg8[%run_scoped3A_3, %dma_start3A_301, %dma_start3A_302, %dma_start3A_303] : memref<4x25x2x128xi32, #tpu.memory_space<vmem>> -> memref<1x25x2x128xi32, #tpu.memory_space<vmem>>
      %dma_start3A_305 = tpu.memref_squeeze %dma_start3A_304 : memref<1x25x2x128xi32, #tpu.memory_space<vmem>> -> memref<25x2x128xi32, #tpu.memory_space<vmem>>
      %dma_start3A_306 = arith.constant 0 : i32
      %dma_start3A_307 = arith.constant 0 : i32
      %dma_start3A_308 = tpu.memref_slice %arg2[%run_scoped3A, %mul3A_2, %dma_start3A_306, %dma_start3A_307] : memref<4x800x2x128xi32, #tpu.memory_space<hbm>> -> memref<1x25x2x128xi32, #tpu.memory_space<hbm>>
      %dma_start3A_309 = tpu.memref_squeeze %dma_start3A_308 : memref<1x25x2x128xi32, #tpu.memory_space<hbm>> -> memref<25x2x128xi32, #tpu.memory_space<hbm>>
      tpu.enqueue_dma source(%dma_start3A_309 : memref<25x2x128xi32, #tpu.memory_space<hbm>>) target(%dma_start3A_305 : memref<25x2x128xi32, #tpu.memory_space<vmem>>) target_semaphore(%run_scoped3A_291 : memref<!tpu.dma_semaphore, #tpu.memory_space<semaphore_mem>>)
      %dma_wait3A_310 = arith.constant 0 : i32
      %dma_wait3A_311 = arith.constant 0 : i32
      %dma_wait3A_312 = arith.constant 0 : i32
      %dma_wait3A_313 = tpu.memref_slice %arg8[%run_scoped3A_3, %dma_wait3A_310, %dma_wait3A_311, %dma_wait3A_312] : memref<4x25x2x128xi32, #tpu.memory_space<vmem>> -> memref<1x25x2x128xi32, #tpu.memory_space<vmem>>
      %dma_wait3A_314 = tpu.memref_squeeze %dma_wait3A_313 : memref<1x25x2x128xi32, #tpu.memory_space<vmem>> -> memref<25x2x128xi32, #tpu.memory_space<vmem>>
      %dma_wait3A_315 = arith.constant 0 : i32
      %dma_wait3A_316 = arith.constant 0 : i32
      %dma_wait3A_317 = tpu.memref_slice %arg2[%run_scoped3A, %mul3A_2, %dma_wait3A_315, %dma_wait3A_316] : memref<4x800x2x128xi32, #tpu.memory_space<hbm>> -> memref<1x25x2x128xi32, #tpu.memory_space<hbm>>
      %dma_wait3A_318 = tpu.memref_squeeze %dma_wait3A_317 : memref<1x25x2x128xi32, #tpu.memory_space<hbm>> -> memref<25x2x128xi32, #tpu.memory_space<hbm>>
      %dma_wait3A_319 = arith.constant 0 : i32
      %dma_wait3A_320 = arith.constant 0 : i32
      %dma_wait3A_321 = arith.constant 0 : i32
      %dma_wait3A_322 = tpu.memref_slice %arg8[%run_scoped3A_3, %dma_wait3A_319, %dma_wait3A_320, %dma_wait3A_321] : memref<4x25x2x128xi32, #tpu.memory_space<vmem>> -> memref<1x25x2x128xi32, #tpu.memory_space<vmem>>
      %dma_wait3A_323 = tpu.memref_squeeze %dma_wait3A_322 : memref<1x25x2x128xi32, #tpu.memory_space<vmem>> -> memref<25x2x128xi32, #tpu.memory_space<vmem>>
      %dma_wait3A_324 = arith.constant 0 : i32
      %dma_wait3A_325 = arith.constant 0 : i32
      %dma_wait3A_326 = tpu.memref_slice %arg2[%run_scoped3A, %mul3A_2, %dma_wait3A_324, %dma_wait3A_325] : memref<4x800x2x128xi32, #tpu.memory_space<hbm>> -> memref<1x25x2x128xi32, #tpu.memory_space<hbm>>
      %dma_wait3A_327 = tpu.memref_squeeze %dma_wait3A_326 : memref<1x25x2x128xi32, #tpu.memory_space<hbm>> -> memref<25x2x128xi32, #tpu.memory_space<hbm>>
      tpu.wait_dma2 semaphore(%run_scoped3A_291 : memref<!tpu.dma_semaphore, #tpu.memory_space<semaphore_mem>>) src(%dma_wait3A_327 : memref<25x2x128xi32, #tpu.memory_space<hbm>>) dst(%dma_wait3A_323 : memref<25x2x128xi32, #tpu.memory_space<vmem>>)
      tpu.yield
    }) : () -> ()
    %run_scoped3A_4 = arith.constant 1 : i32
    %run_scoped3A_5 = arith.constant 1 : i32
    "tpu.region"() ({
      %run_scoped3A_291 = tpu.sem_alloc : memref<!tpu.dma_semaphore, #tpu.memory_space<semaphore_mem>>
      %dma_start3A_292 = arith.constant 0 : i32
      %dma_start3A_293 = arith.constant 0 : i32
      %dma_start3A_294 = arith.constant 0 : i32
      %dma_start3A_295 = tpu.memref_slice %arg8[%run_scoped3A_5, %dma_start3A_292, %dma_start3A_293, %dma_start3A_294] : memref<4x25x2x128xi32, #tpu.memory_space<vmem>> -> memref<1x25x2x128xi32, #tpu.memory_space<vmem>>
      %dma_start3A_296 = tpu.memref_squeeze %dma_start3A_295 : memref<1x25x2x128xi32, #tpu.memory_space<vmem>> -> memref<25x2x128xi32, #tpu.memory_space<vmem>>
      %dma_start3A_297 = arith.constant 0 : i32
      %dma_start3A_298 = arith.constant 0 : i32
      %dma_start3A_299 = tpu.memref_slice %arg2[%run_scoped3A_4, %mul3A_2, %dma_start3A_297, %dma_start3A_298] : memref<4x800x2x128xi32, #tpu.memory_space<hbm>> -> memref<1x25x2x128xi32, #tpu.memory_space<hbm>>
      %dma_start3A_300 = tpu.memref_squeeze %dma_start3A_299 : memref<1x25x2x128xi32, #tpu.memory_space<hbm>> -> memref<25x2x128xi32, #tpu.memory_space<hbm>>
      %dma_start3A_301 = arith.constant 0 : i32
      %dma_start3A_302 = arith.constant 0 : i32
      %dma_start3A_303 = arith.constant 0 : i32
      %dma_start3A_304 = tpu.memref_slice %arg8[%run_scoped3A_5, %dma_start3A_301, %dma_start3A_302, %dma_start3A_303] : memref<4x25x2x128xi32, #tpu.memory_space<vmem>> -> memref<1x25x2x128xi32, #tpu.memory_space<vmem>>
      %dma_start3A_305 = tpu.memref_squeeze %dma_start3A_304 : memref<1x25x2x128xi32, #tpu.memory_space<vmem>> -> memref<25x2x128xi32, #tpu.memory_space<vmem>>
      %dma_start3A_306 = arith.constant 0 : i32
      %dma_start3A_307 = arith.constant 0 : i32
      %dma_start3A_308 = tpu.memref_slice %arg2[%run_scoped3A_4, %mul3A_2, %dma_start3A_306, %dma_start3A_307] : memref<4x800x2x128xi32, #tpu.memory_space<hbm>> -> memref<1x25x2x128xi32, #tpu.memory_space<hbm>>
      %dma_start3A_309 = tpu.memref_squeeze %dma_start3A_308 : memref<1x25x2x128xi32, #tpu.memory_space<hbm>> -> memref<25x2x128xi32, #tpu.memory_space<hbm>>
      tpu.enqueue_dma source(%dma_start3A_309 : memref<25x2x128xi32, #tpu.memory_space<hbm>>) target(%dma_start3A_305 : memref<25x2x128xi32, #tpu.memory_space<vmem>>) target_semaphore(%run_scoped3A_291 : memref<!tpu.dma_semaphore, #tpu.memory_space<semaphore_mem>>)
      %dma_wait3A_310 = arith.constant 0 : i32
      %dma_wait3A_311 = arith.constant 0 : i32
      %dma_wait3A_312 = arith.constant 0 : i32
      %dma_wait3A_313 = tpu.memref_slice %arg8[%run_scoped3A_5, %dma_wait3A_310, %dma_wait3A_311, %dma_wait3A_312] : memref<4x25x2x128xi32, #tpu.memory_space<vmem>> -> memref<1x25x2x128xi32, #tpu.memory_space<vmem>>
      %dma_wait3A_314 = tpu.memref_squeeze %dma_wait3A_313 : memref<1x25x2x128xi32, #tpu.memory_space<vmem>> -> memref<25x2x128xi32, #tpu.memory_space<vmem>>
      %dma_wait3A_315 = arith.constant 0 : i32
      %dma_wait3A_316 = arith.constant 0 : i32
      %dma_wait3A_317 = tpu.memref_slice %arg2[%run_scoped3A_4, %mul3A_2, %dma_wait3A_315, %dma_wait3A_316] : memref<4x800x2x128xi32, #tpu.memory_space<hbm>> -> memref<1x25x2x128xi32, #tpu.memory_space<hbm>>
      %dma_wait3A_318 = tpu.memref_squeeze %dma_wait3A_317 : memref<1x25x2x128xi32, #tpu.memory_space<hbm>> -> memref<25x2x128xi32, #tpu.memory_space<hbm>>
      %dma_wait3A_319 = arith.constant 0 : i32
      %dma_wait3A_320 = arith.constant 0 : i32
      %dma_wait3A_321 = arith.constant 0 : i32
      %dma_wait3A_322 = tpu.memref_slice %arg8[%run_scoped3A_5, %dma_wait3A_319, %dma_wait3A_320, %dma_wait3A_321] : memref<4x25x2x128xi32, #tpu.memory_space<vmem>> -> memref<1x25x2x128xi32, #tpu.memory_space<vmem>>
      %dma_wait3A_323 = tpu.memref_squeeze %dma_wait3A_322 : memref<1x25x2x128xi32, #tpu.memory_space<vmem>> -> memref<25x2x128xi32, #tpu.memory_space<vmem>>
      %dma_wait3A_324 = arith.constant 0 : i32
      %dma_wait3A_325 = arith.constant 0 : i32
      %dma_wait3A_326 = tpu.memref_slice %arg2[%run_scoped3A_4, %mul3A_2, %dma_wait3A_324, %dma_wait3A_325] : memref<4x800x2x128xi32, #tpu.memory_space<hbm>> -> memref<1x25x2x128xi32, #tpu.memory_space<hbm>>
      %dma_wait3A_327 = tpu.memref_squeeze %dma_wait3A_326 : memref<1x25x2x128xi32, #tpu.memory_space<hbm>> -> memref<25x2x128xi32, #tpu.memory_space<hbm>>
      tpu.wait_dma2 semaphore(%run_scoped3A_291 : memref<!tpu.dma_semaphore, #tpu.memory_space<semaphore_mem>>) src(%dma_wait3A_327 : memref<25x2x128xi32, #tpu.memory_space<hbm>>) dst(%dma_wait3A_323 : memref<25x2x128xi32, #tpu.memory_space<vmem>>)
      tpu.yield
    }) : () -> ()
    %run_scoped3A_6 = arith.constant 2 : i32
    %run_scoped3A_7 = arith.constant 2 : i32
    "tpu.region"() ({
      %run_scoped3A_291 = tpu.sem_alloc : memref<!tpu.dma_semaphore, #tpu.memory_space<semaphore_mem>>
      %dma_start3A_292 = arith.constant 0 : i32
      %dma_start3A_293 = arith.constant 0 : i32
      %dma_start3A_294 = arith.constant 0 : i32
      %dma_start3A_295 = tpu.memref_slice %arg8[%run_scoped3A_7, %dma_start3A_292, %dma_start3A_293, %dma_start3A_294] : memref<4x25x2x128xi32, #tpu.memory_space<vmem>> -> memref<1x25x2x128xi32, #tpu.memory_space<vmem>>
      %dma_start3A_296 = tpu.memref_squeeze %dma_start3A_295 : memref<1x25x2x128xi32, #tpu.memory_space<vmem>> -> memref<25x2x128xi32, #tpu.memory_space<vmem>>
      %dma_start3A_297 = arith.constant 0 : i32
      %dma_start3A_298 = arith.constant 0 : i32
      %dma_start3A_299 = tpu.memref_slice %arg2[%run_scoped3A_6, %mul3A_2, %dma_start3A_297, %dma_start3A_298] : memref<4x800x2x128xi32, #tpu.memory_space<hbm>> -> memref<1x25x2x128xi32, #tpu.memory_space<hbm>>
      %dma_start3A_300 = tpu.memref_squeeze %dma_start3A_299 : memref<1x25x2x128xi32, #tpu.memory_space<hbm>> -> memref<25x2x128xi32, #tpu.memory_space<hbm>>
      %dma_start3A_301 = arith.constant 0 : i32
      %dma_start3A_302 = arith.constant 0 : i32
      %dma_start3A_303 = arith.constant 0 : i32
      %dma_start3A_304 = tpu.memref_slice %arg8[%run_scoped3A_7, %dma_start3A_301, %dma_start3A_302, %dma_start3A_303] : memref<4x25x2x128xi32, #tpu.memory_space<vmem>> -> memref<1x25x2x128xi32, #tpu.memory_space<vmem>>
      %dma_start3A_305 = tpu.memref_squeeze %dma_start3A_304 : memref<1x25x2x128xi32, #tpu.memory_space<vmem>> -> memref<25x2x128xi32, #tpu.memory_space<vmem>>
      %dma_start3A_306 = arith.constant 0 : i32
      %dma_start3A_307 = arith.constant 0 : i32
      %dma_start3A_308 = tpu.memref_slice %arg2[%run_scoped3A_6, %mul3A_2, %dma_start3A_306, %dma_start3A_307] : memref<4x800x2x128xi32, #tpu.memory_space<hbm>> -> memref<1x25x2x128xi32, #tpu.memory_space<hbm>>
      %dma_start3A_309 = tpu.memref_squeeze %dma_start3A_308 : memref<1x25x2x128xi32, #tpu.memory_space<hbm>> -> memref<25x2x128xi32, #tpu.memory_space<hbm>>
      tpu.enqueue_dma source(%dma_start3A_309 : memref<25x2x128xi32, #tpu.memory_space<hbm>>) target(%dma_start3A_305 : memref<25x2x128xi32, #tpu.memory_space<vmem>>) target_semaphore(%run_scoped3A_291 : memref<!tpu.dma_semaphore, #tpu.memory_space<semaphore_mem>>)
      %dma_wait3A_310 = arith.constant 0 : i32
      %dma_wait3A_311 = arith.constant 0 : i32
      %dma_wait3A_312 = arith.constant 0 : i32
      %dma_wait3A_313 = tpu.memref_slice %arg8[%run_scoped3A_7, %dma_wait3A_310, %dma_wait3A_311, %dma_wait3A_312] : memref<4x25x2x128xi32, #tpu.memory_space<vmem>> -> memref<1x25x2x128xi32, #tpu.memory_space<vmem>>
      %dma_wait3A_314 = tpu.memref_squeeze %dma_wait3A_313 : memref<1x25x2x128xi32, #tpu.memory_space<vmem>> -> memref<25x2x128xi32, #tpu.memory_space<vmem>>
      %dma_wait3A_315 = arith.constant 0 : i32
      %dma_wait3A_316 = arith.constant 0 : i32
      %dma_wait3A_317 = tpu.memref_slice %arg2[%run_scoped3A_6, %mul3A_2, %dma_wait3A_315, %dma_wait3A_316] : memref<4x800x2x128xi32, #tpu.memory_space<hbm>> -> memref<1x25x2x128xi32, #tpu.memory_space<hbm>>
      %dma_wait3A_318 = tpu.memref_squeeze %dma_wait3A_317 : memref<1x25x2x128xi32, #tpu.memory_space<hbm>> -> memref<25x2x128xi32, #tpu.memory_space<hbm>>
      %dma_wait3A_319 = arith.constant 0 : i32
      %dma_wait3A_320 = arith.constant 0 : i32
      %dma_wait3A_321 = arith.constant 0 : i32
      %dma_wait3A_322 = tpu.memref_slice %arg8[%run_scoped3A_7, %dma_wait3A_319, %dma_wait3A_320, %dma_wait3A_321] : memref<4x25x2x128xi32, #tpu.memory_space<vmem>> -> memref<1x25x2x128xi32, #tpu.memory_space<vmem>>
      %dma_wait3A_323 = tpu.memref_squeeze %dma_wait3A_322 : memref<1x25x2x128xi32, #tpu.memory_space<vmem>> -> memref<25x2x128xi32, #tpu.memory_space<vmem>>
      %dma_wait3A_324 = arith.constant 0 : i32
      %dma_wait3A_325 = arith.constant 0 : i32
      %dma_wait3A_326 = tpu.memref_slice %arg2[%run_scoped3A_6, %mul3A_2, %dma_wait3A_324, %dma_wait3A_325] : memref<4x800x2x128xi32, #tpu.memory_space<hbm>> -> memref<1x25x2x128xi32, #tpu.memory_space<hbm>>
      %dma_wait3A_327 = tpu.memref_squeeze %dma_wait3A_326 : memref<1x25x2x128xi32, #tpu.memory_space<hbm>> -> memref<25x2x128xi32, #tpu.memory_space<hbm>>
      tpu.wait_dma2 semaphore(%run_scoped3A_291 : memref<!tpu.dma_semaphore, #tpu.memory_space<semaphore_mem>>) src(%dma_wait3A_327 : memref<25x2x128xi32, #tpu.memory_space<hbm>>) dst(%dma_wait3A_323 : memref<25x2x128xi32, #tpu.memory_space<vmem>>)
      tpu.yield
    }) : () -> ()
    %run_scoped3A_8 = arith.constant 3 : i32
    %run_scoped3A_9 = arith.constant 3 : i32
    "tpu.region"() ({
      %run_scoped3A_291 = tpu.sem_alloc : memref<!tpu.dma_semaphore, #tpu.memory_space<semaphore_mem>>
      %dma_start3A_292 = arith.constant 0 : i32
      %dma_start3A_293 = arith.constant 0 : i32
      %dma_start3A_294 = arith.constant 0 : i32
      %dma_start3A_295 = tpu.memref_slice %arg8[%run_scoped3A_9, %dma_start3A_292, %dma_start3A_293, %dma_start3A_294] : memref<4x25x2x128xi32, #tpu.memory_space<vmem>> -> memref<1x25x2x128xi32, #tpu.memory_space<vmem>>
      %dma_start3A_296 = tpu.memref_squeeze %dma_start3A_295 : memref<1x25x2x128xi32, #tpu.memory_space<vmem>> -> memref<25x2x128xi32, #tpu.memory_space<vmem>>
      %dma_start3A_297 = arith.constant 0 : i32
      %dma_start3A_298 = arith.constant 0 : i32
      %dma_start3A_299 = tpu.memref_slice %arg2[%run_scoped3A_8, %mul3A_2, %dma_start3A_297, %dma_start3A_298] : memref<4x800x2x128xi32, #tpu.memory_space<hbm>> -> memref<1x25x2x128xi32, #tpu.memory_space<hbm>>
      %dma_start3A_300 = tpu.memref_squeeze %dma_start3A_299 : memref<1x25x2x128xi32, #tpu.memory_space<hbm>> -> memref<25x2x128xi32, #tpu.memory_space<hbm>>
      %dma_start3A_301 = arith.constant 0 : i32
      %dma_start3A_302 = arith.constant 0 : i32
      %dma_start3A_303 = arith.constant 0 : i32
      %dma_start3A_304 = tpu.memref_slice %arg8[%run_scoped3A_9, %dma_start3A_301, %dma_start3A_302, %dma_start3A_303] : memref<4x25x2x128xi32, #tpu.memory_space<vmem>> -> memref<1x25x2x128xi32, #tpu.memory_space<vmem>>
      %dma_start3A_305 = tpu.memref_squeeze %dma_start3A_304 : memref<1x25x2x128xi32, #tpu.memory_space<vmem>> -> memref<25x2x128xi32, #tpu.memory_space<vmem>>
      %dma_start3A_306 = arith.constant 0 : i32
      %dma_start3A_307 = arith.constant 0 : i32
      %dma_start3A_308 = tpu.memref_slice %arg2[%run_scoped3A_8, %mul3A_2, %dma_start3A_306, %dma_start3A_307] : memref<4x800x2x128xi32, #tpu.memory_space<hbm>> -> memref<1x25x2x128xi32, #tpu.memory_space<hbm>>
      %dma_start3A_309 = tpu.memref_squeeze %dma_start3A_308 : memref<1x25x2x128xi32, #tpu.memory_space<hbm>> -> memref<25x2x128xi32, #tpu.memory_space<hbm>>
      tpu.enqueue_dma source(%dma_start3A_309 : memref<25x2x128xi32, #tpu.memory_space<hbm>>) target(%dma_start3A_305 : memref<25x2x128xi32, #tpu.memory_space<vmem>>) target_semaphore(%run_scoped3A_291 : memref<!tpu.dma_semaphore, #tpu.memory_space<semaphore_mem>>)
      %dma_wait3A_310 = arith.constant 0 : i32
      %dma_wait3A_311 = arith.constant 0 : i32
      %dma_wait3A_312 = arith.constant 0 : i32
      %dma_wait3A_313 = tpu.memref_slice %arg8[%run_scoped3A_9, %dma_wait3A_310, %dma_wait3A_311, %dma_wait3A_312] : memref<4x25x2x128xi32, #tpu.memory_space<vmem>> -> memref<1x25x2x128xi32, #tpu.memory_space<vmem>>
      %dma_wait3A_314 = tpu.memref_squeeze %dma_wait3A_313 : memref<1x25x2x128xi32, #tpu.memory_space<vmem>> -> memref<25x2x128xi32, #tpu.memory_space<vmem>>
      %dma_wait3A_315 = arith.constant 0 : i32
      %dma_wait3A_316 = arith.constant 0 : i32
      %dma_wait3A_317 = tpu.memref_slice %arg2[%run_scoped3A_8, %mul3A_2, %dma_wait3A_315, %dma_wait3A_316] : memref<4x800x2x128xi32, #tpu.memory_space<hbm>> -> memref<1x25x2x128xi32, #tpu.memory_space<hbm>>
      %dma_wait3A_318 = tpu.memref_squeeze %dma_wait3A_317 : memref<1x25x2x128xi32, #tpu.memory_space<hbm>> -> memref<25x2x128xi32, #tpu.memory_space<hbm>>
      %dma_wait3A_319 = arith.constant 0 : i32
      %dma_wait3A_320 = arith.constant 0 : i32
      %dma_wait3A_321 = arith.constant 0 : i32
      %dma_wait3A_322 = tpu.memref_slice %arg8[%run_scoped3A_9, %dma_wait3A_319, %dma_wait3A_320, %dma_wait3A_321] : memref<4x25x2x128xi32, #tpu.memory_space<vmem>> -> memref<1x25x2x128xi32, #tpu.memory_space<vmem>>
      %dma_wait3A_323 = tpu.memref_squeeze %dma_wait3A_322 : memref<1x25x2x128xi32, #tpu.memory_space<vmem>> -> memref<25x2x128xi32, #tpu.memory_space<vmem>>
      %dma_wait3A_324 = arith.constant 0 : i32
      %dma_wait3A_325 = arith.constant 0 : i32
      %dma_wait3A_326 = tpu.memref_slice %arg2[%run_scoped3A_8, %mul3A_2, %dma_wait3A_324, %dma_wait3A_325] : memref<4x800x2x128xi32, #tpu.memory_space<hbm>> -> memref<1x25x2x128xi32, #tpu.memory_space<hbm>>
      %dma_wait3A_327 = tpu.memref_squeeze %dma_wait3A_326 : memref<1x25x2x128xi32, #tpu.memory_space<hbm>> -> memref<25x2x128xi32, #tpu.memory_space<hbm>>
      tpu.wait_dma2 semaphore(%run_scoped3A_291 : memref<!tpu.dma_semaphore, #tpu.memory_space<semaphore_mem>>) src(%dma_wait3A_327 : memref<25x2x128xi32, #tpu.memory_space<hbm>>) dst(%dma_wait3A_323 : memref<25x2x128xi32, #tpu.memory_space<vmem>>)
      tpu.yield
    }) : () -> ()
    %dma_start3A = arith.constant 0 : i32
    %dma_start3A_10 = arith.constant 0 : i32
    %dma_start3A_11 = arith.constant 0 : i32
    %dma_start3A_12 = arith.constant 0 : i32
    %dma_start3A_13 = arith.constant 0 : i32
    %dma_start3A_14 = arith.constant 0 : i32
    %dma_start3A_15 = tpu.memref_slice %arg9[%dma_start3A_13, %dma_start3A_14] : memref<256x128xf32, #tpu.memory_space<vmem>> -> memref<128x128xf32, #tpu.memory_space<vmem>>
    %dma_start3A_16 = arith.constant 0 : i32
    %dma_start3A_17 = tpu.memref_slice %arg8[%dma_start3A, %dma_start3A_10, %dma_start3A_11, %dma_start3A_16] : memref<4x25x2x128xi32, #tpu.memory_space<vmem>> -> memref<1x1x1x128xi32, #tpu.memory_space<vmem>>
    %dma_start3A_18 = tpu.memref_squeeze %dma_start3A_17 : memref<1x1x1x128xi32, #tpu.memory_space<vmem>> -> memref<128xi32, #tpu.memory_space<vmem>>
    %dma_start3A_19 = arith.constant 0 : i32
    %dma_start3A_20 = arith.constant 0 : i32
    %dma_start3A_21 = tpu.memref_slice %arg3[%dma_start3A_19, %dma_start3A_20] : memref<100000x128xf32, #tpu.memory_space<hbm>> -> memref<100000x128xf32, #tpu.memory_space<hbm>>
    %dma_start3A_22 = tpu.memref_slice %arg12[%dma_start3A_12] : memref<9x!tpu.dma_semaphore, #tpu.memory_space<semaphore_mem>> -> memref<1x!tpu.dma_semaphore, #tpu.memory_space<semaphore_mem>>
    %dma_start3A_23 = tpu.memref_squeeze %dma_start3A_22 : memref<1x!tpu.dma_semaphore, #tpu.memory_space<semaphore_mem>> -> memref<!tpu.dma_semaphore, #tpu.memory_space<semaphore_mem>>
    tpu.enqueue_indirect_dma source(%dma_start3A_21 : memref<100000x128xf32, #tpu.memory_space<hbm>>) target(%dma_start3A_15 : memref<128x128xf32, #tpu.memory_space<vmem>>) offsets(%dma_start3A_18 : memref<128xi32, #tpu.memory_space<vmem>>) semaphore(%dma_start3A_23 : memref<!tpu.dma_semaphore, #tpu.memory_space<semaphore_mem>>)
    %dma_start3A_24 = arith.constant 0 : i32
    %dma_start3A_25 = arith.constant 0 : i32
    %dma_start3A_26 = arith.constant 1 : i32
    %dma_start3A_27 = arith.constant 0 : i32
    %dma_start3A_28 = arith.constant 128 : i32
    %dma_start3A_29 = arith.constant 0 : i32
    %dma_start3A_30 = tpu.memref_slice %arg9[%dma_start3A_28, %dma_start3A_29] : memref<256x128xf32, #tpu.memory_space<vmem>> -> memref<128x128xf32, #tpu.memory_space<vmem>>
    %dma_start3A_31 = arith.constant 0 : i32
    %dma_start3A_32 = tpu.memref_slice %arg8[%dma_start3A_24, %dma_start3A_25, %dma_start3A_26, %dma_start3A_31] : memref<4x25x2x128xi32, #tpu.memory_space<vmem>> -> memref<1x1x1x128xi32, #tpu.memory_space<vmem>>
    %dma_start3A_33 = tpu.memref_squeeze %dma_start3A_32 : memref<1x1x1x128xi32, #tpu.memory_space<vmem>> -> memref<128xi32, #tpu.memory_space<vmem>>
    %dma_start3A_34 = arith.constant 0 : i32
    %dma_start3A_35 = arith.constant 0 : i32
    %dma_start3A_36 = tpu.memref_slice %arg3[%dma_start3A_34, %dma_start3A_35] : memref<100000x128xf32, #tpu.memory_space<hbm>> -> memref<100000x128xf32, #tpu.memory_space<hbm>>
    %dma_start3A_37 = tpu.memref_slice %arg12[%dma_start3A_27] : memref<9x!tpu.dma_semaphore, #tpu.memory_space<semaphore_mem>> -> memref<1x!tpu.dma_semaphore, #tpu.memory_space<semaphore_mem>>
    %dma_start3A_38 = tpu.memref_squeeze %dma_start3A_37 : memref<1x!tpu.dma_semaphore, #tpu.memory_space<semaphore_mem>> -> memref<!tpu.dma_semaphore, #tpu.memory_space<semaphore_mem>>
    tpu.enqueue_indirect_dma source(%dma_start3A_36 : memref<100000x128xf32, #tpu.memory_space<hbm>>) target(%dma_start3A_30 : memref<128x128xf32, #tpu.memory_space<vmem>>) offsets(%dma_start3A_33 : memref<128xi32, #tpu.memory_space<vmem>>) semaphore(%dma_start3A_38 : memref<!tpu.dma_semaphore, #tpu.memory_space<semaphore_mem>>)
    %scan3A = arith.constant 0 : i32
    %scan3A_39 = arith.constant 0 : i32
    %scan3A_40 = arith.constant 8 : i32
    %scan3A_41 = arith.addi %scan3A_39, %scan3A_40 : i32
    %scan3A_42 = arith.constant 1 : i32
    scf.for %scan3A_291 = %scan3A_39 to %scan3A_41 step %scan3A_42  : i32 {
      %mul3A_292 = arith.constant 3 : i32
      %mul3A_293 = arith.muli %mul3A_292, %scan3A_291 : i32
      %dma_wait3A_294 = arith.constant 0 : i32
      %dma_wait3A_295 = arith.constant 0 : i32
      %dma_wait3A_296 = arith.constant 0 : i32
      %dma_wait3A_297 = arith.constant 0 : i32
      %dma_wait3A_298 = arith.constant 0 : i32
      %dma_wait3A_299 = arith.constant 0 : i32
      %dma_wait3A_300 = tpu.memref_slice %arg9[%dma_wait3A_298, %dma_wait3A_299] : memref<256x128xf32, #tpu.memory_space<vmem>> -> memref<128x128xf32, #tpu.memory_space<vmem>>
      %dma_wait3A_301 = arith.constant 0 : i32
      %dma_wait3A_302 = tpu.memref_slice %arg8[%dma_wait3A_294, %dma_wait3A_295, %dma_wait3A_296, %dma_wait3A_301] : memref<4x25x2x128xi32, #tpu.memory_space<vmem>> -> memref<1x1x1x128xi32, #tpu.memory_space<vmem>>
      %dma_wait3A_303 = tpu.memref_squeeze %dma_wait3A_302 : memref<1x1x1x128xi32, #tpu.memory_space<vmem>> -> memref<128xi32, #tpu.memory_space<vmem>>
      %dma_wait3A_304 = arith.constant 0 : i32
      %dma_wait3A_305 = arith.constant 0 : i32
      %dma_wait3A_306 = tpu.memref_slice %arg3[%dma_wait3A_304, %dma_wait3A_305] : memref<100000x128xf32, #tpu.memory_space<hbm>> -> memref<100000x128xf32, #tpu.memory_space<hbm>>
      %dma_wait3A_307 = tpu.memref_slice %arg12[%dma_wait3A_297] : memref<9x!tpu.dma_semaphore, #tpu.memory_space<semaphore_mem>> -> memref<1x!tpu.dma_semaphore, #tpu.memory_space<semaphore_mem>>
      %dma_wait3A_308 = tpu.memref_squeeze %dma_wait3A_307 : memref<1x!tpu.dma_semaphore, #tpu.memory_space<semaphore_mem>> -> memref<!tpu.dma_semaphore, #tpu.memory_space<semaphore_mem>>
      tpu.wait_indirect_dma semaphore(%dma_wait3A_308 : memref<!tpu.dma_semaphore, #tpu.memory_space<semaphore_mem>>) src(%dma_wait3A_306 : memref<100000x128xf32, #tpu.memory_space<hbm>>) dst(%dma_wait3A_300 : memref<128x128xf32, #tpu.memory_space<vmem>>)
      %dma_wait3A_309 = arith.constant 0 : i32
      %dma_wait3A_310 = arith.constant 0 : i32
      %dma_wait3A_311 = arith.constant 1 : i32
      %dma_wait3A_312 = arith.constant 0 : i32
      %dma_wait3A_313 = arith.constant 128 : i32
      %dma_wait3A_314 = arith.constant 0 : i32
      %dma_wait3A_315 = tpu.memref_slice %arg9[%dma_wait3A_313, %dma_wait3A_314] : memref<256x128xf32, #tpu.memory_space<vmem>> -> memref<128x128xf32, #tpu.memory_space<vmem>>
      %dma_wait3A_316 = arith.constant 0 : i32
      %dma_wait3A_317 = tpu.memref_slice %arg8[%dma_wait3A_309, %dma_wait3A_310, %dma_wait3A_311, %dma_wait3A_316] : memref<4x25x2x128xi32, #tpu.memory_space<vmem>> -> memref<1x1x1x128xi32, #tpu.memory_space<vmem>>
      %dma_wait3A_318 = tpu.memref_squeeze %dma_wait3A_317 : memref<1x1x1x128xi32, #tpu.memory_space<vmem>> -> memref<128xi32, #tpu.memory_space<vmem>>
      %dma_wait3A_319 = arith.constant 0 : i32
      %dma_wait3A_320 = arith.constant 0 : i32
      %dma_wait3A_321 = tpu.memref_slice %arg3[%dma_wait3A_319, %dma_wait3A_320] : memref<100000x128xf32, #tpu.memory_space<hbm>> -> memref<100000x128xf32, #tpu.memory_space<hbm>>
      %dma_wait3A_322 = tpu.memref_slice %arg12[%dma_wait3A_312] : memref<9x!tpu.dma_semaphore, #tpu.memory_space<semaphore_mem>> -> memref<1x!tpu.dma_semaphore, #tpu.memory_space<semaphore_mem>>
      %dma_wait3A_323 = tpu.memref_squeeze %dma_wait3A_322 : memref<1x!tpu.dma_semaphore, #tpu.memory_space<semaphore_mem>> -> memref<!tpu.dma_semaphore, #tpu.memory_space<semaphore_mem>>
      tpu.wait_indirect_dma semaphore(%dma_wait3A_323 : memref<!tpu.dma_semaphore, #tpu.memory_space<semaphore_mem>>) src(%dma_wait3A_321 : memref<100000x128xf32, #tpu.memory_space<hbm>>) dst(%dma_wait3A_315 : memref<128x128xf32, #tpu.memory_space<vmem>>)
      %dma_start3A_324 = arith.constant 1 : i32
      %dma_start3A_325 = arith.constant 0 : i32
      %dma_start3A_326 = arith.constant 3 : i32
      %dma_start3A_327 = arith.constant 0 : i32
      %dma_start3A_328 = arith.constant 0 : i32
      %dma_start3A_329 = tpu.memref_slice %arg9[%dma_start3A_327, %dma_start3A_328] : memref<256x128xf32, #tpu.memory_space<vmem>> -> memref<128x128xf32, #tpu.memory_space<vmem>>
      %dma_start3A_330 = arith.constant 0 : i32
      %dma_start3A_331 = tpu.memref_slice %arg8[%dma_start3A_324, %mul3A_293, %dma_start3A_325, %dma_start3A_330] : memref<4x25x2x128xi32, #tpu.memory_space<vmem>> -> memref<1x1x1x128xi32, #tpu.memory_space<vmem>>
      %dma_start3A_332 = tpu.memref_squeeze %dma_start3A_331 : memref<1x1x1x128xi32, #tpu.memory_space<vmem>> -> memref<128xi32, #tpu.memory_space<vmem>>
      %dma_start3A_333 = arith.constant 0 : i32
      %dma_start3A_334 = arith.constant 0 : i32
      %dma_start3A_335 = tpu.memref_slice %arg4[%dma_start3A_333, %dma_start3A_334] : memref<100000x128xf32, #tpu.memory_space<hbm>> -> memref<100000x128xf32, #tpu.memory_space<hbm>>
      %dma_start3A_336 = tpu.memref_slice %arg12[%dma_start3A_326] : memref<9x!tpu.dma_semaphore, #tpu.memory_space<semaphore_mem>> -> memref<1x!tpu.dma_semaphore, #tpu.memory_space<semaphore_mem>>
      %dma_start3A_337 = tpu.memref_squeeze %dma_start3A_336 : memref<1x!tpu.dma_semaphore, #tpu.memory_space<semaphore_mem>> -> memref<!tpu.dma_semaphore, #tpu.memory_space<semaphore_mem>>
      tpu.enqueue_indirect_dma source(%dma_start3A_335 : memref<100000x128xf32, #tpu.memory_space<hbm>>) target(%dma_start3A_329 : memref<128x128xf32, #tpu.memory_space<vmem>>) offsets(%dma_start3A_332 : memref<128xi32, #tpu.memory_space<vmem>>) semaphore(%dma_start3A_337 : memref<!tpu.dma_semaphore, #tpu.memory_space<semaphore_mem>>) {add = true}
      %dma_start3A_338 = arith.constant 1 : i32
      %dma_start3A_339 = arith.constant 1 : i32
      %dma_start3A_340 = arith.constant 3 : i32
      %dma_start3A_341 = arith.constant 128 : i32
      %dma_start3A_342 = arith.constant 0 : i32
      %dma_start3A_343 = tpu.memref_slice %arg9[%dma_start3A_341, %dma_start3A_342] : memref<256x128xf32, #tpu.memory_space<vmem>> -> memref<128x128xf32, #tpu.memory_space<vmem>>
      %dma_start3A_344 = arith.constant 0 : i32
      %dma_start3A_345 = tpu.memref_slice %arg8[%dma_start3A_338, %mul3A_293, %dma_start3A_339, %dma_start3A_344] : memref<4x25x2x128xi32, #tpu.memory_space<vmem>> -> memref<1x1x1x128xi32, #tpu.memory_space<vmem>>
      %dma_start3A_346 = tpu.memref_squeeze %dma_start3A_345 : memref<1x1x1x128xi32, #tpu.memory_space<vmem>> -> memref<128xi32, #tpu.memory_space<vmem>>
      %dma_start3A_347 = arith.constant 0 : i32
      %dma_start3A_348 = arith.constant 0 : i32
      %dma_start3A_349 = tpu.memref_slice %arg4[%dma_start3A_347, %dma_start3A_348] : memref<100000x128xf32, #tpu.memory_space<hbm>> -> memref<100000x128xf32, #tpu.memory_space<hbm>>
      %dma_start3A_350 = tpu.memref_slice %arg12[%dma_start3A_340] : memref<9x!tpu.dma_semaphore, #tpu.memory_space<semaphore_mem>> -> memref<1x!tpu.dma_semaphore, #tpu.memory_space<semaphore_mem>>
      %dma_start3A_351 = tpu.memref_squeeze %dma_start3A_350 : memref<1x!tpu.dma_semaphore, #tpu.memory_space<semaphore_mem>> -> memref<!tpu.dma_semaphore, #tpu.memory_space<semaphore_mem>>
      tpu.enqueue_indirect_dma source(%dma_start3A_349 : memref<100000x128xf32, #tpu.memory_space<hbm>>) target(%dma_start3A_343 : memref<128x128xf32, #tpu.memory_space<vmem>>) offsets(%dma_start3A_346 : memref<128xi32, #tpu.memory_space<vmem>>) semaphore(%dma_start3A_351 : memref<!tpu.dma_semaphore, #tpu.memory_space<semaphore_mem>>) {add = true}
      %dma_start3A_352 = arith.constant 2 : i32
      %dma_start3A_353 = arith.constant 0 : i32
      %dma_start3A_354 = arith.constant 3 : i32
      %dma_start3A_355 = arith.constant 0 : i32
      %dma_start3A_356 = arith.constant 0 : i32
      %dma_start3A_357 = tpu.memref_slice %arg9[%dma_start3A_355, %dma_start3A_356] : memref<256x128xf32, #tpu.memory_space<vmem>> -> memref<128x128xf32, #tpu.memory_space<vmem>>
      %dma_start3A_358 = arith.constant 0 : i32
      %dma_start3A_359 = tpu.memref_slice %arg8[%dma_start3A_352, %mul3A_293, %dma_start3A_353, %dma_start3A_358] : memref<4x25x2x128xi32, #tpu.memory_space<vmem>> -> memref<1x1x1x128xi32, #tpu.memory_space<vmem>>
      %dma_start3A_360 = tpu.memref_squeeze %dma_start3A_359 : memref<1x1x1x128xi32, #tpu.memory_space<vmem>> -> memref<128xi32, #tpu.memory_space<vmem>>
      %dma_start3A_361 = arith.constant 0 : i32
      %dma_start3A_362 = arith.constant 0 : i32
      %dma_start3A_363 = tpu.memref_slice %arg5[%dma_start3A_361, %dma_start3A_362] : memref<100000x128xf32, #tpu.memory_space<hbm>> -> memref<100000x128xf32, #tpu.memory_space<hbm>>
      %dma_start3A_364 = tpu.memref_slice %arg12[%dma_start3A_354] : memref<9x!tpu.dma_semaphore, #tpu.memory_space<semaphore_mem>> -> memref<1x!tpu.dma_semaphore, #tpu.memory_space<semaphore_mem>>
      %dma_start3A_365 = tpu.memref_squeeze %dma_start3A_364 : memref<1x!tpu.dma_semaphore, #tpu.memory_space<semaphore_mem>> -> memref<!tpu.dma_semaphore, #tpu.memory_space<semaphore_mem>>
      tpu.enqueue_indirect_dma source(%dma_start3A_363 : memref<100000x128xf32, #tpu.memory_space<hbm>>) target(%dma_start3A_357 : memref<128x128xf32, #tpu.memory_space<vmem>>) offsets(%dma_start3A_360 : memref<128xi32, #tpu.memory_space<vmem>>) semaphore(%dma_start3A_365 : memref<!tpu.dma_semaphore, #tpu.memory_space<semaphore_mem>>) {add = true}
      %dma_start3A_366 = arith.constant 2 : i32
      %dma_start3A_367 = arith.constant 1 : i32
      %dma_start3A_368 = arith.constant 3 : i32
      %dma_start3A_369 = arith.constant 128 : i32
      %dma_start3A_370 = arith.constant 0 : i32
      %dma_start3A_371 = tpu.memref_slice %arg9[%dma_start3A_369, %dma_start3A_370] : memref<256x128xf32, #tpu.memory_space<vmem>> -> memref<128x128xf32, #tpu.memory_space<vmem>>
      %dma_start3A_372 = arith.constant 0 : i32
      %dma_start3A_373 = tpu.memref_slice %arg8[%dma_start3A_366, %mul3A_293, %dma_start3A_367, %dma_start3A_372] : memref<4x25x2x128xi32, #tpu.memory_space<vmem>> -> memref<1x1x1x128xi32, #tpu.memory_space<vmem>>
      %dma_start3A_374 = tpu.memref_squeeze %dma_start3A_373 : memref<1x1x1x128xi32, #tpu.memory_space<vmem>> -> memref<128xi32, #tpu.memory_space<vmem>>
      %dma_start3A_375 = arith.constant 0 : i32
      %dma_start3A_376 = arith.constant 0 : i32
      %dma_start3A_377 = tpu.memref_slice %arg5[%dma_start3A_375, %dma_start3A_376] : memref<100000x128xf32, #tpu.memory_space<hbm>> -> memref<100000x128xf32, #tpu.memory_space<hbm>>
      %dma_start3A_378 = tpu.memref_slice %arg12[%dma_start3A_368] : memref<9x!tpu.dma_semaphore, #tpu.memory_space<semaphore_mem>> -> memref<1x!tpu.dma_semaphore, #tpu.memory_space<semaphore_mem>>
      %dma_start3A_379 = tpu.memref_squeeze %dma_start3A_378 : memref<1x!tpu.dma_semaphore, #tpu.memory_space<semaphore_mem>> -> memref<!tpu.dma_semaphore, #tpu.memory_space<semaphore_mem>>
      tpu.enqueue_indirect_dma source(%dma_start3A_377 : memref<100000x128xf32, #tpu.memory_space<hbm>>) target(%dma_start3A_371 : memref<128x128xf32, #tpu.memory_space<vmem>>) offsets(%dma_start3A_374 : memref<128xi32, #tpu.memory_space<vmem>>) semaphore(%dma_start3A_379 : memref<!tpu.dma_semaphore, #tpu.memory_space<semaphore_mem>>) {add = true}
      %dma_start3A_380 = arith.constant 3 : i32
      %dma_start3A_381 = arith.constant 0 : i32
      %dma_start3A_382 = arith.constant 3 : i32
      %dma_start3A_383 = arith.constant 0 : i32
      %dma_start3A_384 = arith.constant 0 : i32
      %dma_start3A_385 = tpu.memref_slice %arg9[%dma_start3A_383, %dma_start3A_384] : memref<256x128xf32, #tpu.memory_space<vmem>> -> memref<128x128xf32, #tpu.memory_space<vmem>>
      %dma_start3A_386 = arith.constant 0 : i32
      %dma_start3A_387 = tpu.memref_slice %arg8[%dma_start3A_380, %mul3A_293, %dma_start3A_381, %dma_start3A_386] : memref<4x25x2x128xi32, #tpu.memory_space<vmem>> -> memref<1x1x1x128xi32, #tpu.memory_space<vmem>>
      %dma_start3A_388 = tpu.memref_squeeze %dma_start3A_387 : memref<1x1x1x128xi32, #tpu.memory_space<vmem>> -> memref<128xi32, #tpu.memory_space<vmem>>
      %dma_start3A_389 = arith.constant 0 : i32
      %dma_start3A_390 = arith.constant 0 : i32
      %dma_start3A_391 = tpu.memref_slice %arg6[%dma_start3A_389, %dma_start3A_390] : memref<100000x128xf32, #tpu.memory_space<hbm>> -> memref<100000x128xf32, #tpu.memory_space<hbm>>
      %dma_start3A_392 = tpu.memref_slice %arg12[%dma_start3A_382] : memref<9x!tpu.dma_semaphore, #tpu.memory_space<semaphore_mem>> -> memref<1x!tpu.dma_semaphore, #tpu.memory_space<semaphore_mem>>
      %dma_start3A_393 = tpu.memref_squeeze %dma_start3A_392 : memref<1x!tpu.dma_semaphore, #tpu.memory_space<semaphore_mem>> -> memref<!tpu.dma_semaphore, #tpu.memory_space<semaphore_mem>>
      tpu.enqueue_indirect_dma source(%dma_start3A_391 : memref<100000x128xf32, #tpu.memory_space<hbm>>) target(%dma_start3A_385 : memref<128x128xf32, #tpu.memory_space<vmem>>) offsets(%dma_start3A_388 : memref<128xi32, #tpu.memory_space<vmem>>) semaphore(%dma_start3A_393 : memref<!tpu.dma_semaphore, #tpu.memory_space<semaphore_mem>>) {add = true}
      %dma_start3A_394 = arith.constant 3 : i32
      %dma_start3A_395 = arith.constant 1 : i32
      %dma_start3A_396 = arith.constant 3 : i32
      %dma_start3A_397 = arith.constant 128 : i32
      %dma_start3A_398 = arith.constant 0 : i32
      %dma_start3A_399 = tpu.memref_slice %arg9[%dma_start3A_397, %dma_start3A_398] : memref<256x128xf32, #tpu.memory_space<vmem>> -> memref<128x128xf32, #tpu.memory_space<vmem>>
      %dma_start3A_400 = arith.constant 0 : i32
      %dma_start3A_401 = tpu.memref_slice %arg8[%dma_start3A_394, %mul3A_293, %dma_start3A_395, %dma_start3A_400] : memref<4x25x2x128xi32, #tpu.memory_space<vmem>> -> memref<1x1x1x128xi32, #tpu.memory_space<vmem>>
      %dma_start3A_402 = tpu.memref_squeeze %dma_start3A_401 : memref<1x1x1x128xi32, #tpu.memory_space<vmem>> -> memref<128xi32, #tpu.memory_space<vmem>>
      %dma_start3A_403 = arith.constant 0 : i32
      %dma_start3A_404 = arith.constant 0 : i32
      %dma_start3A_405 = tpu.memref_slice %arg6[%dma_start3A_403, %dma_start3A_404] : memref<100000x128xf32, #tpu.memory_space<hbm>> -> memref<100000x128xf32, #tpu.memory_space<hbm>>
      %dma_start3A_406 = tpu.memref_slice %arg12[%dma_start3A_396] : memref<9x!tpu.dma_semaphore, #tpu.memory_space<semaphore_mem>> -> memref<1x!tpu.dma_semaphore, #tpu.memory_space<semaphore_mem>>
      %dma_start3A_407 = tpu.memref_squeeze %dma_start3A_406 : memref<1x!tpu.dma_semaphore, #tpu.memory_space<semaphore_mem>> -> memref<!tpu.dma_semaphore, #tpu.memory_space<semaphore_mem>>
      tpu.enqueue_indirect_dma source(%dma_start3A_405 : memref<100000x128xf32, #tpu.memory_space<hbm>>) target(%dma_start3A_399 : memref<128x128xf32, #tpu.memory_space<vmem>>) offsets(%dma_start3A_402 : memref<128xi32, #tpu.memory_space<vmem>>) semaphore(%dma_start3A_407 : memref<!tpu.dma_semaphore, #tpu.memory_space<semaphore_mem>>) {add = true}
      %gt3A = arith.constant 0 : i32
      %gt3A_408 = arith.cmpi sgt, %scan3A_291, %gt3A : i32
      %convert_element_type3A = arith.extui %gt3A_408 : i1 to i32
      %cond3A = arith.constant 0 : i32
      %cond3A_409 = arith.cmpi ne, %convert_element_type3A, %cond3A : i32
      scf.if %cond3A_409 {
        %dma_wait3A_1050 = arith.constant 7 : i32
        %dma_wait3A_1051 = arith.constant 0 : i32
        %dma_wait3A_1052 = arith.constant 0 : i32
        %dma_wait3A_1053 = tpu.memref_slice %arg7[%dma_wait3A_1051, %dma_wait3A_1052] : memref<204800x128xf32, #tpu.memory_space<hbm>> -> memref<256x128xf32, #tpu.memory_space<hbm>>
        %dma_wait3A_1054 = tpu.memref_slice %arg12[%dma_wait3A_1050] : memref<9x!tpu.dma_semaphore, #tpu.memory_space<semaphore_mem>> -> memref<1x!tpu.dma_semaphore, #tpu.memory_space<semaphore_mem>>
        %dma_wait3A_1055 = tpu.memref_squeeze %dma_wait3A_1054 : memref<1x!tpu.dma_semaphore, #tpu.memory_space<semaphore_mem>> -> memref<!tpu.dma_semaphore, #tpu.memory_space<semaphore_mem>>
        %dma_wait3A_1056 = arith.constant 0 : i32
        %dma_wait3A_1057 = arith.constant 0 : i32
        %dma_wait3A_1058 = tpu.memref_slice %arg7[%dma_wait3A_1056, %dma_wait3A_1057] : memref<204800x128xf32, #tpu.memory_space<hbm>> -> memref<256x128xf32, #tpu.memory_space<hbm>>
        tpu.wait_dma2 semaphore(%dma_wait3A_1055 : memref<!tpu.dma_semaphore, #tpu.memory_space<semaphore_mem>>) src(%arg10 : memref<256x128xf32, #tpu.memory_space<vmem>>) dst(%dma_wait3A_1058 : memref<256x128xf32, #tpu.memory_space<hbm>>)
      } else {
      }
      %add3A_410 = arith.constant 1 : i32
      %add3A_411 = arith.addi %mul3A_293, %add3A_410 : i32
      %dma_start3A_412 = arith.constant 0 : i32
      %dma_start3A_413 = arith.constant 0 : i32
      %dma_start3A_414 = arith.constant 1 : i32
      %dma_start3A_415 = arith.constant 0 : i32
      %dma_start3A_416 = arith.constant 0 : i32
      %dma_start3A_417 = tpu.memref_slice %arg10[%dma_start3A_415, %dma_start3A_416] : memref<256x128xf32, #tpu.memory_space<vmem>> -> memref<128x128xf32, #tpu.memory_space<vmem>>
      %dma_start3A_418 = arith.constant 0 : i32
      %dma_start3A_419 = tpu.memref_slice %arg8[%dma_start3A_412, %add3A_411, %dma_start3A_413, %dma_start3A_418] : memref<4x25x2x128xi32, #tpu.memory_space<vmem>> -> memref<1x1x1x128xi32, #tpu.memory_space<vmem>>
      %dma_start3A_420 = tpu.memref_squeeze %dma_start3A_419 : memref<1x1x1x128xi32, #tpu.memory_space<vmem>> -> memref<128xi32, #tpu.memory_space<vmem>>
      %dma_start3A_421 = arith.constant 0 : i32
      %dma_start3A_422 = arith.constant 0 : i32
      %dma_start3A_423 = tpu.memref_slice %arg3[%dma_start3A_421, %dma_start3A_422] : memref<100000x128xf32, #tpu.memory_space<hbm>> -> memref<100000x128xf32, #tpu.memory_space<hbm>>
      %dma_start3A_424 = tpu.memref_slice %arg12[%dma_start3A_414] : memref<9x!tpu.dma_semaphore, #tpu.memory_space<semaphore_mem>> -> memref<1x!tpu.dma_semaphore, #tpu.memory_space<semaphore_mem>>
      %dma_start3A_425 = tpu.memref_squeeze %dma_start3A_424 : memref<1x!tpu.dma_semaphore, #tpu.memory_space<semaphore_mem>> -> memref<!tpu.dma_semaphore, #tpu.memory_space<semaphore_mem>>
      tpu.enqueue_indirect_dma source(%dma_start3A_423 : memref<100000x128xf32, #tpu.memory_space<hbm>>) target(%dma_start3A_417 : memref<128x128xf32, #tpu.memory_space<vmem>>) offsets(%dma_start3A_420 : memref<128xi32, #tpu.memory_space<vmem>>) semaphore(%dma_start3A_425 : memref<!tpu.dma_semaphore, #tpu.memory_space<semaphore_mem>>)
      %dma_start3A_426 = arith.constant 0 : i32
      %dma_start3A_427 = arith.constant 1 : i32
      %dma_start3A_428 = arith.constant 1 : i32
      %dma_start3A_429 = arith.constant 128 : i32
      %dma_start3A_430 = arith.constant 0 : i32
      %dma_start3A_431 = tpu.memref_slice %arg10[%dma_start3A_429, %dma_start3A_430] : memref<256x128xf32, #tpu.memory_space<vmem>> -> memref<128x128xf32, #tpu.memory_space<vmem>>
      %dma_start3A_432 = arith.constant 0 : i32
      %dma_start3A_433 = tpu.memref_slice %arg8[%dma_start3A_426, %add3A_411, %dma_start3A_427, %dma_start3A_432] : memref<4x25x2x128xi32, #tpu.memory_space<vmem>> -> memref<1x1x1x128xi32, #tpu.memory_space<vmem>>
      %dma_start3A_434 = tpu.memref_squeeze %dma_start3A_433 : memref<1x1x1x128xi32, #tpu.memory_space<vmem>> -> memref<128xi32, #tpu.memory_space<vmem>>
      %dma_start3A_435 = arith.constant 0 : i32
      %dma_start3A_436 = arith.constant 0 : i32
      %dma_start3A_437 = tpu.memref_slice %arg3[%dma_start3A_435, %dma_start3A_436] : memref<100000x128xf32, #tpu.memory_space<hbm>> -> memref<100000x128xf32, #tpu.memory_space<hbm>>
      %dma_start3A_438 = tpu.memref_slice %arg12[%dma_start3A_428] : memref<9x!tpu.dma_semaphore, #tpu.memory_space<semaphore_mem>> -> memref<1x!tpu.dma_semaphore, #tpu.memory_space<semaphore_mem>>
      %dma_start3A_439 = tpu.memref_squeeze %dma_start3A_438 : memref<1x!tpu.dma_semaphore, #tpu.memory_space<semaphore_mem>> -> memref<!tpu.dma_semaphore, #tpu.memory_space<semaphore_mem>>
      tpu.enqueue_indirect_dma source(%dma_start3A_437 : memref<100000x128xf32, #tpu.memory_space<hbm>>) target(%dma_start3A_431 : memref<128x128xf32, #tpu.memory_space<vmem>>) offsets(%dma_start3A_434 : memref<128xi32, #tpu.memory_space<vmem>>) semaphore(%dma_start3A_439 : memref<!tpu.dma_semaphore, #tpu.memory_space<semaphore_mem>>)
      %dma_wait3A_440 = arith.constant 1 : i32
      %dma_wait3A_441 = arith.constant 0 : i32
      %dma_wait3A_442 = arith.constant 0 : i32
      %dma_wait3A_443 = arith.constant 3 : i32
      %dma_wait3A_444 = arith.constant 0 : i32
      %dma_wait3A_445 = arith.constant 0 : i32
      %dma_wait3A_446 = tpu.memref_slice %arg9[%dma_wait3A_444, %dma_wait3A_445] : memref<256x128xf32, #tpu.memory_space<vmem>> -> memref<128x128xf32, #tpu.memory_space<vmem>>
      %dma_wait3A_447 = arith.constant 0 : i32
      %dma_wait3A_448 = tpu.memref_slice %arg8[%dma_wait3A_440, %dma_wait3A_441, %dma_wait3A_442, %dma_wait3A_447] : memref<4x25x2x128xi32, #tpu.memory_space<vmem>> -> memref<1x1x1x128xi32, #tpu.memory_space<vmem>>
      %dma_wait3A_449 = tpu.memref_squeeze %dma_wait3A_448 : memref<1x1x1x128xi32, #tpu.memory_space<vmem>> -> memref<128xi32, #tpu.memory_space<vmem>>
      %dma_wait3A_450 = arith.constant 0 : i32
      %dma_wait3A_451 = arith.constant 0 : i32
      %dma_wait3A_452 = tpu.memref_slice %arg4[%dma_wait3A_450, %dma_wait3A_451] : memref<100000x128xf32, #tpu.memory_space<hbm>> -> memref<100000x128xf32, #tpu.memory_space<hbm>>
      %dma_wait3A_453 = tpu.memref_slice %arg12[%dma_wait3A_443] : memref<9x!tpu.dma_semaphore, #tpu.memory_space<semaphore_mem>> -> memref<1x!tpu.dma_semaphore, #tpu.memory_space<semaphore_mem>>
      %dma_wait3A_454 = tpu.memref_squeeze %dma_wait3A_453 : memref<1x!tpu.dma_semaphore, #tpu.memory_space<semaphore_mem>> -> memref<!tpu.dma_semaphore, #tpu.memory_space<semaphore_mem>>
      tpu.wait_indirect_dma semaphore(%dma_wait3A_454 : memref<!tpu.dma_semaphore, #tpu.memory_space<semaphore_mem>>) src(%dma_wait3A_452 : memref<100000x128xf32, #tpu.memory_space<hbm>>) dst(%dma_wait3A_446 : memref<128x128xf32, #tpu.memory_space<vmem>>)
      %dma_wait3A_455 = arith.constant 1 : i32
      %dma_wait3A_456 = arith.constant 0 : i32
      %dma_wait3A_457 = arith.constant 1 : i32
      %dma_wait3A_458 = arith.constant 3 : i32
      %dma_wait3A_459 = arith.constant 128 : i32
      %dma_wait3A_460 = arith.constant 0 : i32
      %dma_wait3A_461 = tpu.memref_slice %arg9[%dma_wait3A_459, %dma_wait3A_460] : memref<256x128xf32, #tpu.memory_space<vmem>> -> memref<128x128xf32, #tpu.memory_space<vmem>>
      %dma_wait3A_462 = arith.constant 0 : i32
      %dma_wait3A_463 = tpu.memref_slice %arg8[%dma_wait3A_455, %dma_wait3A_456, %dma_wait3A_457, %dma_wait3A_462] : memref<4x25x2x128xi32, #tpu.memory_space<vmem>> -> memref<1x1x1x128xi32, #tpu.memory_space<vmem>>
      %dma_wait3A_464 = tpu.memref_squeeze %dma_wait3A_463 : memref<1x1x1x128xi32, #tpu.memory_space<vmem>> -> memref<128xi32, #tpu.memory_space<vmem>>
      %dma_wait3A_465 = arith.constant 0 : i32
      %dma_wait3A_466 = arith.constant 0 : i32
      %dma_wait3A_467 = tpu.memref_slice %arg4[%dma_wait3A_465, %dma_wait3A_466] : memref<100000x128xf32, #tpu.memory_space<hbm>> -> memref<100000x128xf32, #tpu.memory_space<hbm>>
      %dma_wait3A_468 = tpu.memref_slice %arg12[%dma_wait3A_458] : memref<9x!tpu.dma_semaphore, #tpu.memory_space<semaphore_mem>> -> memref<1x!tpu.dma_semaphore, #tpu.memory_space<semaphore_mem>>
      %dma_wait3A_469 = tpu.memref_squeeze %dma_wait3A_468 : memref<1x!tpu.dma_semaphore, #tpu.memory_space<semaphore_mem>> -> memref<!tpu.dma_semaphore, #tpu.memory_space<semaphore_mem>>
      tpu.wait_indirect_dma semaphore(%dma_wait3A_469 : memref<!tpu.dma_semaphore, #tpu.memory_space<semaphore_mem>>) src(%dma_wait3A_467 : memref<100000x128xf32, #tpu.memory_space<hbm>>) dst(%dma_wait3A_461 : memref<128x128xf32, #tpu.memory_space<vmem>>)
      %dma_wait3A_470 = arith.constant 2 : i32
      %dma_wait3A_471 = arith.constant 0 : i32
      %dma_wait3A_472 = arith.constant 0 : i32
      %dma_wait3A_473 = arith.constant 3 : i32
      %dma_wait3A_474 = arith.constant 0 : i32
      %dma_wait3A_475 = arith.constant 0 : i32
      %dma_wait3A_476 = tpu.memref_slice %arg9[%dma_wait3A_474, %dma_wait3A_475] : memref<256x128xf32, #tpu.memory_space<vmem>> -> memref<128x128xf32, #tpu.memory_space<vmem>>
      %dma_wait3A_477 = arith.constant 0 : i32
      %dma_wait3A_478 = tpu.memref_slice %arg8[%dma_wait3A_470, %dma_wait3A_471, %dma_wait3A_472, %dma_wait3A_477] : memref<4x25x2x128xi32, #tpu.memory_space<vmem>> -> memref<1x1x1x128xi32, #tpu.memory_space<vmem>>
      %dma_wait3A_479 = tpu.memref_squeeze %dma_wait3A_478 : memref<1x1x1x128xi32, #tpu.memory_space<vmem>> -> memref<128xi32, #tpu.memory_space<vmem>>
      %dma_wait3A_480 = arith.constant 0 : i32
      %dma_wait3A_481 = arith.constant 0 : i32
      %dma_wait3A_482 = tpu.memref_slice %arg5[%dma_wait3A_480, %dma_wait3A_481] : memref<100000x128xf32, #tpu.memory_space<hbm>> -> memref<100000x128xf32, #tpu.memory_space<hbm>>
      %dma_wait3A_483 = tpu.memref_slice %arg12[%dma_wait3A_473] : memref<9x!tpu.dma_semaphore, #tpu.memory_space<semaphore_mem>> -> memref<1x!tpu.dma_semaphore, #tpu.memory_space<semaphore_mem>>
      %dma_wait3A_484 = tpu.memref_squeeze %dma_wait3A_483 : memref<1x!tpu.dma_semaphore, #tpu.memory_space<semaphore_mem>> -> memref<!tpu.dma_semaphore, #tpu.memory_space<semaphore_mem>>
      tpu.wait_indirect_dma semaphore(%dma_wait3A_484 : memref<!tpu.dma_semaphore, #tpu.memory_space<semaphore_mem>>) src(%dma_wait3A_482 : memref<100000x128xf32, #tpu.memory_space<hbm>>) dst(%dma_wait3A_476 : memref<128x128xf32, #tpu.memory_space<vmem>>)
      %dma_wait3A_485 = arith.constant 2 : i32
      %dma_wait3A_486 = arith.constant 0 : i32
      %dma_wait3A_487 = arith.constant 1 : i32
      %dma_wait3A_488 = arith.constant 3 : i32
      %dma_wait3A_489 = arith.constant 128 : i32
      %dma_wait3A_490 = arith.constant 0 : i32
      %dma_wait3A_491 = tpu.memref_slice %arg9[%dma_wait3A_489, %dma_wait3A_490] : memref<256x128xf32, #tpu.memory_space<vmem>> -> memref<128x128xf32, #tpu.memory_space<vmem>>
      %dma_wait3A_492 = arith.constant 0 : i32
      %dma_wait3A_493 = tpu.memref_slice %arg8[%dma_wait3A_485, %dma_wait3A_486, %dma_wait3A_487, %dma_wait3A_492] : memref<4x25x2x128xi32, #tpu.memory_space<vmem>> -> memref<1x1x1x128xi32, #tpu.memory_space<vmem>>
      %dma_wait3A_494 = tpu.memref_squeeze %dma_wait3A_493 : memref<1x1x1x128xi32, #tpu.memory_space<vmem>> -> memref<128xi32, #tpu.memory_space<vmem>>
      %dma_wait3A_495 = arith.constant 0 : i32
      %dma_wait3A_496 = arith.constant 0 : i32
      %dma_wait3A_497 = tpu.memref_slice %arg5[%dma_wait3A_495, %dma_wait3A_496] : memref<100000x128xf32, #tpu.memory_space<hbm>> -> memref<100000x128xf32, #tpu.memory_space<hbm>>
      %dma_wait3A_498 = tpu.memref_slice %arg12[%dma_wait3A_488] : memref<9x!tpu.dma_semaphore, #tpu.memory_space<semaphore_mem>> -> memref<1x!tpu.dma_semaphore, #tpu.memory_space<semaphore_mem>>
      %dma_wait3A_499 = tpu.memref_squeeze %dma_wait3A_498 : memref<1x!tpu.dma_semaphore, #tpu.memory_space<semaphore_mem>> -> memref<!tpu.dma_semaphore, #tpu.memory_space<semaphore_mem>>
      tpu.wait_indirect_dma semaphore(%dma_wait3A_499 : memref<!tpu.dma_semaphore, #tpu.memory_space<semaphore_mem>>) src(%dma_wait3A_497 : memref<100000x128xf32, #tpu.memory_space<hbm>>) dst(%dma_wait3A_491 : memref<128x128xf32, #tpu.memory_space<vmem>>)
      %dma_wait3A_500 = arith.constant 3 : i32
      %dma_wait3A_501 = arith.constant 0 : i32
      %dma_wait3A_502 = arith.constant 0 : i32
      %dma_wait3A_503 = arith.constant 3 : i32
      %dma_wait3A_504 = arith.constant 0 : i32
      %dma_wait3A_505 = arith.constant 0 : i32
      %dma_wait3A_506 = tpu.memref_slice %arg9[%dma_wait3A_504, %dma_wait3A_505] : memref<256x128xf32, #tpu.memory_space<vmem>> -> memref<128x128xf32, #tpu.memory_space<vmem>>
      %dma_wait3A_507 = arith.constant 0 : i32
      %dma_wait3A_508 = tpu.memref_slice %arg8[%dma_wait3A_500, %dma_wait3A_501, %dma_wait3A_502, %dma_wait3A_507] : memref<4x25x2x128xi32, #tpu.memory_space<vmem>> -> memref<1x1x1x128xi32, #tpu.memory_space<vmem>>
      %dma_wait3A_509 = tpu.memref_squeeze %dma_wait3A_508 : memref<1x1x1x128xi32, #tpu.memory_space<vmem>> -> memref<128xi32, #tpu.memory_space<vmem>>
      %dma_wait3A_510 = arith.constant 0 : i32
      %dma_wait3A_511 = arith.constant 0 : i32
      %dma_wait3A_512 = tpu.memref_slice %arg6[%dma_wait3A_510, %dma_wait3A_511] : memref<100000x128xf32, #tpu.memory_space<hbm>> -> memref<100000x128xf32, #tpu.memory_space<hbm>>
      %dma_wait3A_513 = tpu.memref_slice %arg12[%dma_wait3A_503] : memref<9x!tpu.dma_semaphore, #tpu.memory_space<semaphore_mem>> -> memref<1x!tpu.dma_semaphore, #tpu.memory_space<semaphore_mem>>
      %dma_wait3A_514 = tpu.memref_squeeze %dma_wait3A_513 : memref<1x!tpu.dma_semaphore, #tpu.memory_space<semaphore_mem>> -> memref<!tpu.dma_semaphore, #tpu.memory_space<semaphore_mem>>
      tpu.wait_indirect_dma semaphore(%dma_wait3A_514 : memref<!tpu.dma_semaphore, #tpu.memory_space<semaphore_mem>>) src(%dma_wait3A_512 : memref<100000x128xf32, #tpu.memory_space<hbm>>) dst(%dma_wait3A_506 : memref<128x128xf32, #tpu.memory_space<vmem>>)
      %dma_wait3A_515 = arith.constant 3 : i32
      %dma_wait3A_516 = arith.constant 0 : i32
      %dma_wait3A_517 = arith.constant 1 : i32
      %dma_wait3A_518 = arith.constant 3 : i32
      %dma_wait3A_519 = arith.constant 128 : i32
      %dma_wait3A_520 = arith.constant 0 : i32
      %dma_wait3A_521 = tpu.memref_slice %arg9[%dma_wait3A_519, %dma_wait3A_520] : memref<256x128xf32, #tpu.memory_space<vmem>> -> memref<128x128xf32, #tpu.memory_space<vmem>>
      %dma_wait3A_522 = arith.constant 0 : i32
      %dma_wait3A_523 = tpu.memref_slice %arg8[%dma_wait3A_515, %dma_wait3A_516, %dma_wait3A_517, %dma_wait3A_522] : memref<4x25x2x128xi32, #tpu.memory_space<vmem>> -> memref<1x1x1x128xi32, #tpu.memory_space<vmem>>
      %dma_wait3A_524 = tpu.memref_squeeze %dma_wait3A_523 : memref<1x1x1x128xi32, #tpu.memory_space<vmem>> -> memref<128xi32, #tpu.memory_space<vmem>>
      %dma_wait3A_525 = arith.constant 0 : i32
      %dma_wait3A_526 = arith.constant 0 : i32
      %dma_wait3A_527 = tpu.memref_slice %arg6[%dma_wait3A_525, %dma_wait3A_526] : memref<100000x128xf32, #tpu.memory_space<hbm>> -> memref<100000x128xf32, #tpu.memory_space<hbm>>
      %dma_wait3A_528 = tpu.memref_slice %arg12[%dma_wait3A_518] : memref<9x!tpu.dma_semaphore, #tpu.memory_space<semaphore_mem>> -> memref<1x!tpu.dma_semaphore, #tpu.memory_space<semaphore_mem>>
      %dma_wait3A_529 = tpu.memref_squeeze %dma_wait3A_528 : memref<1x!tpu.dma_semaphore, #tpu.memory_space<semaphore_mem>> -> memref<!tpu.dma_semaphore, #tpu.memory_space<semaphore_mem>>
      tpu.wait_indirect_dma semaphore(%dma_wait3A_529 : memref<!tpu.dma_semaphore, #tpu.memory_space<semaphore_mem>>) src(%dma_wait3A_527 : memref<100000x128xf32, #tpu.memory_space<hbm>>) dst(%dma_wait3A_521 : memref<128x128xf32, #tpu.memory_space<vmem>>)
      %add3A_530 = arith.addi %mul3A_2, %mul3A_293 : i32
      %mul3A_531 = arith.constant 256 : i32
      %mul3A_532 = arith.muli %add3A_530, %mul3A_531 : i32
      %dma_start3A_533 = arith.constant 6 : i32
      %dma_start3A_534 = arith.constant 0 : i32
      %dma_start3A_535 = tpu.memref_slice %arg7[%mul3A_532, %dma_start3A_534] : memref<204800x128xf32, #tpu.memory_space<hbm>> -> memref<256x128xf32, #tpu.memory_space<hbm>>
      %dma_start3A_536 = tpu.memref_slice %arg12[%dma_start3A_533] : memref<9x!tpu.dma_semaphore, #tpu.memory_space<semaphore_mem>> -> memref<1x!tpu.dma_semaphore, #tpu.memory_space<semaphore_mem>>
      %dma_start3A_537 = tpu.memref_squeeze %dma_start3A_536 : memref<1x!tpu.dma_semaphore, #tpu.memory_space<semaphore_mem>> -> memref<!tpu.dma_semaphore, #tpu.memory_space<semaphore_mem>>
      %dma_start3A_538 = arith.constant 0 : i32
      %dma_start3A_539 = tpu.memref_slice %arg7[%mul3A_532, %dma_start3A_538] : memref<204800x128xf32, #tpu.memory_space<hbm>> -> memref<256x128xf32, #tpu.memory_space<hbm>>
      tpu.enqueue_dma source(%arg9 : memref<256x128xf32, #tpu.memory_space<vmem>>) target(%dma_start3A_539 : memref<256x128xf32, #tpu.memory_space<hbm>>) target_semaphore(%dma_start3A_537 : memref<!tpu.dma_semaphore, #tpu.memory_space<semaphore_mem>>)
      %dma_wait3A_540 = arith.constant 0 : i32
      %dma_wait3A_541 = arith.constant 0 : i32
      %dma_wait3A_542 = arith.constant 0 : i32
      %dma_wait3A_543 = arith.constant 1 : i32
      %dma_wait3A_544 = arith.constant 0 : i32
      %dma_wait3A_545 = arith.constant 0 : i32
      %dma_wait3A_546 = tpu.memref_slice %arg10[%dma_wait3A_544, %dma_wait3A_545] : memref<256x128xf32, #tpu.memory_space<vmem>> -> memref<128x128xf32, #tpu.memory_space<vmem>>
      %dma_wait3A_547 = arith.constant 0 : i32
      %dma_wait3A_548 = tpu.memref_slice %arg8[%dma_wait3A_540, %dma_wait3A_541, %dma_wait3A_542, %dma_wait3A_547] : memref<4x25x2x128xi32, #tpu.memory_space<vmem>> -> memref<1x1x1x128xi32, #tpu.memory_space<vmem>>
      %dma_wait3A_549 = tpu.memref_squeeze %dma_wait3A_548 : memref<1x1x1x128xi32, #tpu.memory_space<vmem>> -> memref<128xi32, #tpu.memory_space<vmem>>
      %dma_wait3A_550 = arith.constant 0 : i32
      %dma_wait3A_551 = arith.constant 0 : i32
      %dma_wait3A_552 = tpu.memref_slice %arg3[%dma_wait3A_550, %dma_wait3A_551] : memref<100000x128xf32, #tpu.memory_space<hbm>> -> memref<100000x128xf32, #tpu.memory_space<hbm>>
      %dma_wait3A_553 = tpu.memref_slice %arg12[%dma_wait3A_543] : memref<9x!tpu.dma_semaphore, #tpu.memory_space<semaphore_mem>> -> memref<1x!tpu.dma_semaphore, #tpu.memory_space<semaphore_mem>>
      %dma_wait3A_554 = tpu.memref_squeeze %dma_wait3A_553 : memref<1x!tpu.dma_semaphore, #tpu.memory_space<semaphore_mem>> -> memref<!tpu.dma_semaphore, #tpu.memory_space<semaphore_mem>>
      tpu.wait_indirect_dma semaphore(%dma_wait3A_554 : memref<!tpu.dma_semaphore, #tpu.memory_space<semaphore_mem>>) src(%dma_wait3A_552 : memref<100000x128xf32, #tpu.memory_space<hbm>>) dst(%dma_wait3A_546 : memref<128x128xf32, #tpu.memory_space<vmem>>)
      %dma_wait3A_555 = arith.constant 0 : i32
      %dma_wait3A_556 = arith.constant 0 : i32
      %dma_wait3A_557 = arith.constant 1 : i32
      %dma_wait3A_558 = arith.constant 1 : i32
      %dma_wait3A_559 = arith.constant 128 : i32
      %dma_wait3A_560 = arith.constant 0 : i32
      %dma_wait3A_561 = tpu.memref_slice %arg10[%dma_wait3A_559, %dma_wait3A_560] : memref<256x128xf32, #tpu.memory_space<vmem>> -> memref<128x128xf32, #tpu.memory_space<vmem>>
      %dma_wait3A_562 = arith.constant 0 : i32
      %dma_wait3A_563 = tpu.memref_slice %arg8[%dma_wait3A_555, %dma_wait3A_556, %dma_wait3A_557, %dma_wait3A_562] : memref<4x25x2x128xi32, #tpu.memory_space<vmem>> -> memref<1x1x1x128xi32, #tpu.memory_space<vmem>>
      %dma_wait3A_564 = tpu.memref_squeeze %dma_wait3A_563 : memref<1x1x1x128xi32, #tpu.memory_space<vmem>> -> memref<128xi32, #tpu.memory_space<vmem>>
      %dma_wait3A_565 = arith.constant 0 : i32
      %dma_wait3A_566 = arith.constant 0 : i32
      %dma_wait3A_567 = tpu.memref_slice %arg3[%dma_wait3A_565, %dma_wait3A_566] : memref<100000x128xf32, #tpu.memory_space<hbm>> -> memref<100000x128xf32, #tpu.memory_space<hbm>>
      %dma_wait3A_568 = tpu.memref_slice %arg12[%dma_wait3A_558] : memref<9x!tpu.dma_semaphore, #tpu.memory_space<semaphore_mem>> -> memref<1x!tpu.dma_semaphore, #tpu.memory_space<semaphore_mem>>
      %dma_wait3A_569 = tpu.memref_squeeze %dma_wait3A_568 : memref<1x!tpu.dma_semaphore, #tpu.memory_space<semaphore_mem>> -> memref<!tpu.dma_semaphore, #tpu.memory_space<semaphore_mem>>
      tpu.wait_indirect_dma semaphore(%dma_wait3A_569 : memref<!tpu.dma_semaphore, #tpu.memory_space<semaphore_mem>>) src(%dma_wait3A_567 : memref<100000x128xf32, #tpu.memory_space<hbm>>) dst(%dma_wait3A_561 : memref<128x128xf32, #tpu.memory_space<vmem>>)
      %add3A_570 = arith.constant 1 : i32
      %add3A_571 = arith.addi %mul3A_293, %add3A_570 : i32
      %dma_start3A_572 = arith.constant 1 : i32
      %dma_start3A_573 = arith.constant 0 : i32
      %dma_start3A_574 = arith.constant 4 : i32
      %dma_start3A_575 = arith.constant 0 : i32
      %dma_start3A_576 = arith.constant 0 : i32
      %dma_start3A_577 = tpu.memref_slice %arg10[%dma_start3A_575, %dma_start3A_576] : memref<256x128xf32, #tpu.memory_space<vmem>> -> memref<128x128xf32, #tpu.memory_space<vmem>>
      %dma_start3A_578 = arith.constant 0 : i32
      %dma_start3A_579 = tpu.memref_slice %arg8[%dma_start3A_572, %add3A_571, %dma_start3A_573, %dma_start3A_578] : memref<4x25x2x128xi32, #tpu.memory_space<vmem>> -> memref<1x1x1x128xi32, #tpu.memory_space<vmem>>
      %dma_start3A_580 = tpu.memref_squeeze %dma_start3A_579 : memref<1x1x1x128xi32, #tpu.memory_space<vmem>> -> memref<128xi32, #tpu.memory_space<vmem>>
      %dma_start3A_581 = arith.constant 0 : i32
      %dma_start3A_582 = arith.constant 0 : i32
      %dma_start3A_583 = tpu.memref_slice %arg4[%dma_start3A_581, %dma_start3A_582] : memref<100000x128xf32, #tpu.memory_space<hbm>> -> memref<100000x128xf32, #tpu.memory_space<hbm>>
      %dma_start3A_584 = tpu.memref_slice %arg12[%dma_start3A_574] : memref<9x!tpu.dma_semaphore, #tpu.memory_space<semaphore_mem>> -> memref<1x!tpu.dma_semaphore, #tpu.memory_space<semaphore_mem>>
      %dma_start3A_585 = tpu.memref_squeeze %dma_start3A_584 : memref<1x!tpu.dma_semaphore, #tpu.memory_space<semaphore_mem>> -> memref<!tpu.dma_semaphore, #tpu.memory_space<semaphore_mem>>
      tpu.enqueue_indirect_dma source(%dma_start3A_583 : memref<100000x128xf32, #tpu.memory_space<hbm>>) target(%dma_start3A_577 : memref<128x128xf32, #tpu.memory_space<vmem>>) offsets(%dma_start3A_580 : memref<128xi32, #tpu.memory_space<vmem>>) semaphore(%dma_start3A_585 : memref<!tpu.dma_semaphore, #tpu.memory_space<semaphore_mem>>) {add = true}
      %dma_start3A_586 = arith.constant 1 : i32
      %dma_start3A_587 = arith.constant 1 : i32
      %dma_start3A_588 = arith.constant 4 : i32
      %dma_start3A_589 = arith.constant 128 : i32
      %dma_start3A_590 = arith.constant 0 : i32
      %dma_start3A_591 = tpu.memref_slice %arg10[%dma_start3A_589, %dma_start3A_590] : memref<256x128xf32, #tpu.memory_space<vmem>> -> memref<128x128xf32, #tpu.memory_space<vmem>>
      %dma_start3A_592 = arith.constant 0 : i32
      %dma_start3A_593 = tpu.memref_slice %arg8[%dma_start3A_586, %add3A_571, %dma_start3A_587, %dma_start3A_592] : memref<4x25x2x128xi32, #tpu.memory_space<vmem>> -> memref<1x1x1x128xi32, #tpu.memory_space<vmem>>
      %dma_start3A_594 = tpu.memref_squeeze %dma_start3A_593 : memref<1x1x1x128xi32, #tpu.memory_space<vmem>> -> memref<128xi32, #tpu.memory_space<vmem>>
      %dma_start3A_595 = arith.constant 0 : i32
      %dma_start3A_596 = arith.constant 0 : i32
      %dma_start3A_597 = tpu.memref_slice %arg4[%dma_start3A_595, %dma_start3A_596] : memref<100000x128xf32, #tpu.memory_space<hbm>> -> memref<100000x128xf32, #tpu.memory_space<hbm>>
      %dma_start3A_598 = tpu.memref_slice %arg12[%dma_start3A_588] : memref<9x!tpu.dma_semaphore, #tpu.memory_space<semaphore_mem>> -> memref<1x!tpu.dma_semaphore, #tpu.memory_space<semaphore_mem>>
      %dma_start3A_599 = tpu.memref_squeeze %dma_start3A_598 : memref<1x!tpu.dma_semaphore, #tpu.memory_space<semaphore_mem>> -> memref<!tpu.dma_semaphore, #tpu.memory_space<semaphore_mem>>
      tpu.enqueue_indirect_dma source(%dma_start3A_597 : memref<100000x128xf32, #tpu.memory_space<hbm>>) target(%dma_start3A_591 : memref<128x128xf32, #tpu.memory_space<vmem>>) offsets(%dma_start3A_594 : memref<128xi32, #tpu.memory_space<vmem>>) semaphore(%dma_start3A_599 : memref<!tpu.dma_semaphore, #tpu.memory_space<semaphore_mem>>) {add = true}
      %dma_start3A_600 = arith.constant 2 : i32
      %dma_start3A_601 = arith.constant 0 : i32
      %dma_start3A_602 = arith.constant 4 : i32
      %dma_start3A_603 = arith.constant 0 : i32
      %dma_start3A_604 = arith.constant 0 : i32
      %dma_start3A_605 = tpu.memref_slice %arg10[%dma_start3A_603, %dma_start3A_604] : memref<256x128xf32, #tpu.memory_space<vmem>> -> memref<128x128xf32, #tpu.memory_space<vmem>>
      %dma_start3A_606 = arith.constant 0 : i32
      %dma_start3A_607 = tpu.memref_slice %arg8[%dma_start3A_600, %add3A_571, %dma_start3A_601, %dma_start3A_606] : memref<4x25x2x128xi32, #tpu.memory_space<vmem>> -> memref<1x1x1x128xi32, #tpu.memory_space<vmem>>
      %dma_start3A_608 = tpu.memref_squeeze %dma_start3A_607 : memref<1x1x1x128xi32, #tpu.memory_space<vmem>> -> memref<128xi32, #tpu.memory_space<vmem>>
      %dma_start3A_609 = arith.constant 0 : i32
      %dma_start3A_610 = arith.constant 0 : i32
      %dma_start3A_611 = tpu.memref_slice %arg5[%dma_start3A_609, %dma_start3A_610] : memref<100000x128xf32, #tpu.memory_space<hbm>> -> memref<100000x128xf32, #tpu.memory_space<hbm>>
      %dma_start3A_612 = tpu.memref_slice %arg12[%dma_start3A_602] : memref<9x!tpu.dma_semaphore, #tpu.memory_space<semaphore_mem>> -> memref<1x!tpu.dma_semaphore, #tpu.memory_space<semaphore_mem>>
      %dma_start3A_613 = tpu.memref_squeeze %dma_start3A_612 : memref<1x!tpu.dma_semaphore, #tpu.memory_space<semaphore_mem>> -> memref<!tpu.dma_semaphore, #tpu.memory_space<semaphore_mem>>
      tpu.enqueue_indirect_dma source(%dma_start3A_611 : memref<100000x128xf32, #tpu.memory_space<hbm>>) target(%dma_start3A_605 : memref<128x128xf32, #tpu.memory_space<vmem>>) offsets(%dma_start3A_608 : memref<128xi32, #tpu.memory_space<vmem>>) semaphore(%dma_start3A_613 : memref<!tpu.dma_semaphore, #tpu.memory_space<semaphore_mem>>) {add = true}
      %dma_start3A_614 = arith.constant 2 : i32
      %dma_start3A_615 = arith.constant 1 : i32
      %dma_start3A_616 = arith.constant 4 : i32
      %dma_start3A_617 = arith.constant 128 : i32
      %dma_start3A_618 = arith.constant 0 : i32
      %dma_start3A_619 = tpu.memref_slice %arg10[%dma_start3A_617, %dma_start3A_618] : memref<256x128xf32, #tpu.memory_space<vmem>> -> memref<128x128xf32, #tpu.memory_space<vmem>>
      %dma_start3A_620 = arith.constant 0 : i32
      %dma_start3A_621 = tpu.memref_slice %arg8[%dma_start3A_614, %add3A_571, %dma_start3A_615, %dma_start3A_620] : memref<4x25x2x128xi32, #tpu.memory_space<vmem>> -> memref<1x1x1x128xi32, #tpu.memory_space<vmem>>
      %dma_start3A_622 = tpu.memref_squeeze %dma_start3A_621 : memref<1x1x1x128xi32, #tpu.memory_space<vmem>> -> memref<128xi32, #tpu.memory_space<vmem>>
      %dma_start3A_623 = arith.constant 0 : i32
      %dma_start3A_624 = arith.constant 0 : i32
      %dma_start3A_625 = tpu.memref_slice %arg5[%dma_start3A_623, %dma_start3A_624] : memref<100000x128xf32, #tpu.memory_space<hbm>> -> memref<100000x128xf32, #tpu.memory_space<hbm>>
      %dma_start3A_626 = tpu.memref_slice %arg12[%dma_start3A_616] : memref<9x!tpu.dma_semaphore, #tpu.memory_space<semaphore_mem>> -> memref<1x!tpu.dma_semaphore, #tpu.memory_space<semaphore_mem>>
      %dma_start3A_627 = tpu.memref_squeeze %dma_start3A_626 : memref<1x!tpu.dma_semaphore, #tpu.memory_space<semaphore_mem>> -> memref<!tpu.dma_semaphore, #tpu.memory_space<semaphore_mem>>
      tpu.enqueue_indirect_dma source(%dma_start3A_625 : memref<100000x128xf32, #tpu.memory_space<hbm>>) target(%dma_start3A_619 : memref<128x128xf32, #tpu.memory_space<vmem>>) offsets(%dma_start3A_622 : memref<128xi32, #tpu.memory_space<vmem>>) semaphore(%dma_start3A_627 : memref<!tpu.dma_semaphore, #tpu.memory_space<semaphore_mem>>) {add = true}
      %dma_start3A_628 = arith.constant 3 : i32
      %dma_start3A_629 = arith.constant 0 : i32
      %dma_start3A_630 = arith.constant 4 : i32
      %dma_start3A_631 = arith.constant 0 : i32
      %dma_start3A_632 = arith.constant 0 : i32
      %dma_start3A_633 = tpu.memref_slice %arg10[%dma_start3A_631, %dma_start3A_632] : memref<256x128xf32, #tpu.memory_space<vmem>> -> memref<128x128xf32, #tpu.memory_space<vmem>>
      %dma_start3A_634 = arith.constant 0 : i32
      %dma_start3A_635 = tpu.memref_slice %arg8[%dma_start3A_628, %add3A_571, %dma_start3A_629, %dma_start3A_634] : memref<4x25x2x128xi32, #tpu.memory_space<vmem>> -> memref<1x1x1x128xi32, #tpu.memory_space<vmem>>
      %dma_start3A_636 = tpu.memref_squeeze %dma_start3A_635 : memref<1x1x1x128xi32, #tpu.memory_space<vmem>> -> memref<128xi32, #tpu.memory_space<vmem>>
      %dma_start3A_637 = arith.constant 0 : i32
      %dma_start3A_638 = arith.constant 0 : i32
      %dma_start3A_639 = tpu.memref_slice %arg6[%dma_start3A_637, %dma_start3A_638] : memref<100000x128xf32, #tpu.memory_space<hbm>> -> memref<100000x128xf32, #tpu.memory_space<hbm>>
      %dma_start3A_640 = tpu.memref_slice %arg12[%dma_start3A_630] : memref<9x!tpu.dma_semaphore, #tpu.memory_space<semaphore_mem>> -> memref<1x!tpu.dma_semaphore, #tpu.memory_space<semaphore_mem>>
      %dma_start3A_641 = tpu.memref_squeeze %dma_start3A_640 : memref<1x!tpu.dma_semaphore, #tpu.memory_space<semaphore_mem>> -> memref<!tpu.dma_semaphore, #tpu.memory_space<semaphore_mem>>
      tpu.enqueue_indirect_dma source(%dma_start3A_639 : memref<100000x128xf32, #tpu.memory_space<hbm>>) target(%dma_start3A_633 : memref<128x128xf32, #tpu.memory_space<vmem>>) offsets(%dma_start3A_636 : memref<128xi32, #tpu.memory_space<vmem>>) semaphore(%dma_start3A_641 : memref<!tpu.dma_semaphore, #tpu.memory_space<semaphore_mem>>) {add = true}
      %dma_start3A_642 = arith.constant 3 : i32
      %dma_start3A_643 = arith.constant 1 : i32
      %dma_start3A_644 = arith.constant 4 : i32
      %dma_start3A_645 = arith.constant 128 : i32
      %dma_start3A_646 = arith.constant 0 : i32
      %dma_start3A_647 = tpu.memref_slice %arg10[%dma_start3A_645, %dma_start3A_646] : memref<256x128xf32, #tpu.memory_space<vmem>> -> memref<128x128xf32, #tpu.memory_space<vmem>>
      %dma_start3A_648 = arith.constant 0 : i32
      %dma_start3A_649 = tpu.memref_slice %arg8[%dma_start3A_642, %add3A_571, %dma_start3A_643, %dma_start3A_648] : memref<4x25x2x128xi32, #tpu.memory_space<vmem>> -> memref<1x1x1x128xi32, #tpu.memory_space<vmem>>
      %dma_start3A_650 = tpu.memref_squeeze %dma_start3A_649 : memref<1x1x1x128xi32, #tpu.memory_space<vmem>> -> memref<128xi32, #tpu.memory_space<vmem>>
      %dma_start3A_651 = arith.constant 0 : i32
      %dma_start3A_652 = arith.constant 0 : i32
      %dma_start3A_653 = tpu.memref_slice %arg6[%dma_start3A_651, %dma_start3A_652] : memref<100000x128xf32, #tpu.memory_space<hbm>> -> memref<100000x128xf32, #tpu.memory_space<hbm>>
      %dma_start3A_654 = tpu.memref_slice %arg12[%dma_start3A_644] : memref<9x!tpu.dma_semaphore, #tpu.memory_space<semaphore_mem>> -> memref<1x!tpu.dma_semaphore, #tpu.memory_space<semaphore_mem>>
      %dma_start3A_655 = tpu.memref_squeeze %dma_start3A_654 : memref<1x!tpu.dma_semaphore, #tpu.memory_space<semaphore_mem>> -> memref<!tpu.dma_semaphore, #tpu.memory_space<semaphore_mem>>
      tpu.enqueue_indirect_dma source(%dma_start3A_653 : memref<100000x128xf32, #tpu.memory_space<hbm>>) target(%dma_start3A_647 : memref<128x128xf32, #tpu.memory_space<vmem>>) offsets(%dma_start3A_650 : memref<128xi32, #tpu.memory_space<vmem>>) semaphore(%dma_start3A_655 : memref<!tpu.dma_semaphore, #tpu.memory_space<semaphore_mem>>) {add = true}
      %gt3A_656 = arith.constant 0 : i32
      %gt3A_657 = arith.cmpi sgt, %scan3A_291, %gt3A_656 : i32
      %convert_element_type3A_658 = arith.extui %gt3A_657 : i1 to i32
      %cond3A_659 = arith.constant 0 : i32
      %cond3A_660 = arith.cmpi ne, %convert_element_type3A_658, %cond3A_659 : i32
      scf.if %cond3A_660 {
        %dma_wait3A_1050 = arith.constant 8 : i32
        %dma_wait3A_1051 = arith.constant 0 : i32
        %dma_wait3A_1052 = arith.constant 0 : i32
        %dma_wait3A_1053 = tpu.memref_slice %arg7[%dma_wait3A_1051, %dma_wait3A_1052] : memref<204800x128xf32, #tpu.memory_space<hbm>> -> memref<256x128xf32, #tpu.memory_space<hbm>>
        %dma_wait3A_1054 = tpu.memref_slice %arg12[%dma_wait3A_1050] : memref<9x!tpu.dma_semaphore, #tpu.memory_space<semaphore_mem>> -> memref<1x!tpu.dma_semaphore, #tpu.memory_space<semaphore_mem>>
        %dma_wait3A_1055 = tpu.memref_squeeze %dma_wait3A_1054 : memref<1x!tpu.dma_semaphore, #tpu.memory_space<semaphore_mem>> -> memref<!tpu.dma_semaphore, #tpu.memory_space<semaphore_mem>>
        %dma_wait3A_1056 = arith.constant 0 : i32
        %dma_wait3A_1057 = arith.constant 0 : i32
        %dma_wait3A_1058 = tpu.memref_slice %arg7[%dma_wait3A_1056, %dma_wait3A_1057] : memref<204800x128xf32, #tpu.memory_space<hbm>> -> memref<256x128xf32, #tpu.memory_space<hbm>>
        tpu.wait_dma2 semaphore(%dma_wait3A_1055 : memref<!tpu.dma_semaphore, #tpu.memory_space<semaphore_mem>>) src(%arg11 : memref<256x128xf32, #tpu.memory_space<vmem>>) dst(%dma_wait3A_1058 : memref<256x128xf32, #tpu.memory_space<hbm>>)
      } else {
      }
      %add3A_661 = arith.constant 2 : i32
      %add3A_662 = arith.addi %mul3A_293, %add3A_661 : i32
      %dma_start3A_663 = arith.constant 0 : i32
      %dma_start3A_664 = arith.constant 0 : i32
      %dma_start3A_665 = arith.constant 2 : i32
      %dma_start3A_666 = arith.constant 0 : i32
      %dma_start3A_667 = arith.constant 0 : i32
      %dma_start3A_668 = tpu.memref_slice %arg11[%dma_start3A_666, %dma_start3A_667] : memref<256x128xf32, #tpu.memory_space<vmem>> -> memref<128x128xf32, #tpu.memory_space<vmem>>
      %dma_start3A_669 = arith.constant 0 : i32
      %dma_start3A_670 = tpu.memref_slice %arg8[%dma_start3A_663, %add3A_662, %dma_start3A_664, %dma_start3A_669] : memref<4x25x2x128xi32, #tpu.memory_space<vmem>> -> memref<1x1x1x128xi32, #tpu.memory_space<vmem>>
      %dma_start3A_671 = tpu.memref_squeeze %dma_start3A_670 : memref<1x1x1x128xi32, #tpu.memory_space<vmem>> -> memref<128xi32, #tpu.memory_space<vmem>>
      %dma_start3A_672 = arith.constant 0 : i32
      %dma_start3A_673 = arith.constant 0 : i32
      %dma_start3A_674 = tpu.memref_slice %arg3[%dma_start3A_672, %dma_start3A_673] : memref<100000x128xf32, #tpu.memory_space<hbm>> -> memref<100000x128xf32, #tpu.memory_space<hbm>>
      %dma_start3A_675 = tpu.memref_slice %arg12[%dma_start3A_665] : memref<9x!tpu.dma_semaphore, #tpu.memory_space<semaphore_mem>> -> memref<1x!tpu.dma_semaphore, #tpu.memory_space<semaphore_mem>>
      %dma_start3A_676 = tpu.memref_squeeze %dma_start3A_675 : memref<1x!tpu.dma_semaphore, #tpu.memory_space<semaphore_mem>> -> memref<!tpu.dma_semaphore, #tpu.memory_space<semaphore_mem>>
      tpu.enqueue_indirect_dma source(%dma_start3A_674 : memref<100000x128xf32, #tpu.memory_space<hbm>>) target(%dma_start3A_668 : memref<128x128xf32, #tpu.memory_space<vmem>>) offsets(%dma_start3A_671 : memref<128xi32, #tpu.memory_space<vmem>>) semaphore(%dma_start3A_676 : memref<!tpu.dma_semaphore, #tpu.memory_space<semaphore_mem>>)
      %dma_start3A_677 = arith.constant 0 : i32
      %dma_start3A_678 = arith.constant 1 : i32
      %dma_start3A_679 = arith.constant 2 : i32
      %dma_start3A_680 = arith.constant 128 : i32
      %dma_start3A_681 = arith.constant 0 : i32
      %dma_start3A_682 = tpu.memref_slice %arg11[%dma_start3A_680, %dma_start3A_681] : memref<256x128xf32, #tpu.memory_space<vmem>> -> memref<128x128xf32, #tpu.memory_space<vmem>>
      %dma_start3A_683 = arith.constant 0 : i32
      %dma_start3A_684 = tpu.memref_slice %arg8[%dma_start3A_677, %add3A_662, %dma_start3A_678, %dma_start3A_683] : memref<4x25x2x128xi32, #tpu.memory_space<vmem>> -> memref<1x1x1x128xi32, #tpu.memory_space<vmem>>
      %dma_start3A_685 = tpu.memref_squeeze %dma_start3A_684 : memref<1x1x1x128xi32, #tpu.memory_space<vmem>> -> memref<128xi32, #tpu.memory_space<vmem>>
      %dma_start3A_686 = arith.constant 0 : i32
      %dma_start3A_687 = arith.constant 0 : i32
      %dma_start3A_688 = tpu.memref_slice %arg3[%dma_start3A_686, %dma_start3A_687] : memref<100000x128xf32, #tpu.memory_space<hbm>> -> memref<100000x128xf32, #tpu.memory_space<hbm>>
      %dma_start3A_689 = tpu.memref_slice %arg12[%dma_start3A_679] : memref<9x!tpu.dma_semaphore, #tpu.memory_space<semaphore_mem>> -> memref<1x!tpu.dma_semaphore, #tpu.memory_space<semaphore_mem>>
      %dma_start3A_690 = tpu.memref_squeeze %dma_start3A_689 : memref<1x!tpu.dma_semaphore, #tpu.memory_space<semaphore_mem>> -> memref<!tpu.dma_semaphore, #tpu.memory_space<semaphore_mem>>
      tpu.enqueue_indirect_dma source(%dma_start3A_688 : memref<100000x128xf32, #tpu.memory_space<hbm>>) target(%dma_start3A_682 : memref<128x128xf32, #tpu.memory_space<vmem>>) offsets(%dma_start3A_685 : memref<128xi32, #tpu.memory_space<vmem>>) semaphore(%dma_start3A_690 : memref<!tpu.dma_semaphore, #tpu.memory_space<semaphore_mem>>)
      %dma_wait3A_691 = arith.constant 1 : i32
      %dma_wait3A_692 = arith.constant 0 : i32
      %dma_wait3A_693 = arith.constant 0 : i32
      %dma_wait3A_694 = arith.constant 4 : i32
      %dma_wait3A_695 = arith.constant 0 : i32
      %dma_wait3A_696 = arith.constant 0 : i32
      %dma_wait3A_697 = tpu.memref_slice %arg10[%dma_wait3A_695, %dma_wait3A_696] : memref<256x128xf32, #tpu.memory_space<vmem>> -> memref<128x128xf32, #tpu.memory_space<vmem>>
      %dma_wait3A_698 = arith.constant 0 : i32
      %dma_wait3A_699 = tpu.memref_slice %arg8[%dma_wait3A_691, %dma_wait3A_692, %dma_wait3A_693, %dma_wait3A_698] : memref<4x25x2x128xi32, #tpu.memory_space<vmem>> -> memref<1x1x1x128xi32, #tpu.memory_space<vmem>>
      %dma_wait3A_700 = tpu.memref_squeeze %dma_wait3A_699 : memref<1x1x1x128xi32, #tpu.memory_space<vmem>> -> memref<128xi32, #tpu.memory_space<vmem>>
      %dma_wait3A_701 = arith.constant 0 : i32
      %dma_wait3A_702 = arith.constant 0 : i32
      %dma_wait3A_703 = tpu.memref_slice %arg4[%dma_wait3A_701, %dma_wait3A_702] : memref<100000x128xf32, #tpu.memory_space<hbm>> -> memref<100000x128xf32, #tpu.memory_space<hbm>>
      %dma_wait3A_704 = tpu.memref_slice %arg12[%dma_wait3A_694] : memref<9x!tpu.dma_semaphore, #tpu.memory_space<semaphore_mem>> -> memref<1x!tpu.dma_semaphore, #tpu.memory_space<semaphore_mem>>
      %dma_wait3A_705 = tpu.memref_squeeze %dma_wait3A_704 : memref<1x!tpu.dma_semaphore, #tpu.memory_space<semaphore_mem>> -> memref<!tpu.dma_semaphore, #tpu.memory_space<semaphore_mem>>
      tpu.wait_indirect_dma semaphore(%dma_wait3A_705 : memref<!tpu.dma_semaphore, #tpu.memory_space<semaphore_mem>>) src(%dma_wait3A_703 : memref<100000x128xf32, #tpu.memory_space<hbm>>) dst(%dma_wait3A_697 : memref<128x128xf32, #tpu.memory_space<vmem>>)
      %dma_wait3A_706 = arith.constant 1 : i32
      %dma_wait3A_707 = arith.constant 0 : i32
      %dma_wait3A_708 = arith.constant 1 : i32
      %dma_wait3A_709 = arith.constant 4 : i32
      %dma_wait3A_710 = arith.constant 128 : i32
      %dma_wait3A_711 = arith.constant 0 : i32
      %dma_wait3A_712 = tpu.memref_slice %arg10[%dma_wait3A_710, %dma_wait3A_711] : memref<256x128xf32, #tpu.memory_space<vmem>> -> memref<128x128xf32, #tpu.memory_space<vmem>>
      %dma_wait3A_713 = arith.constant 0 : i32
      %dma_wait3A_714 = tpu.memref_slice %arg8[%dma_wait3A_706, %dma_wait3A_707, %dma_wait3A_708, %dma_wait3A_713] : memref<4x25x2x128xi32, #tpu.memory_space<vmem>> -> memref<1x1x1x128xi32, #tpu.memory_space<vmem>>
      %dma_wait3A_715 = tpu.memref_squeeze %dma_wait3A_714 : memref<1x1x1x128xi32, #tpu.memory_space<vmem>> -> memref<128xi32, #tpu.memory_space<vmem>>
      %dma_wait3A_716 = arith.constant 0 : i32
      %dma_wait3A_717 = arith.constant 0 : i32
      %dma_wait3A_718 = tpu.memref_slice %arg4[%dma_wait3A_716, %dma_wait3A_717] : memref<100000x128xf32, #tpu.memory_space<hbm>> -> memref<100000x128xf32, #tpu.memory_space<hbm>>
      %dma_wait3A_719 = tpu.memref_slice %arg12[%dma_wait3A_709] : memref<9x!tpu.dma_semaphore, #tpu.memory_space<semaphore_mem>> -> memref<1x!tpu.dma_semaphore, #tpu.memory_space<semaphore_mem>>
      %dma_wait3A_720 = tpu.memref_squeeze %dma_wait3A_719 : memref<1x!tpu.dma_semaphore, #tpu.memory_space<semaphore_mem>> -> memref<!tpu.dma_semaphore, #tpu.memory_space<semaphore_mem>>
      tpu.wait_indirect_dma semaphore(%dma_wait3A_720 : memref<!tpu.dma_semaphore, #tpu.memory_space<semaphore_mem>>) src(%dma_wait3A_718 : memref<100000x128xf32, #tpu.memory_space<hbm>>) dst(%dma_wait3A_712 : memref<128x128xf32, #tpu.memory_space<vmem>>)
      %dma_wait3A_721 = arith.constant 2 : i32
      %dma_wait3A_722 = arith.constant 0 : i32
      %dma_wait3A_723 = arith.constant 0 : i32
      %dma_wait3A_724 = arith.constant 4 : i32
      %dma_wait3A_725 = arith.constant 0 : i32
      %dma_wait3A_726 = arith.constant 0 : i32
      %dma_wait3A_727 = tpu.memref_slice %arg10[%dma_wait3A_725, %dma_wait3A_726] : memref<256x128xf32, #tpu.memory_space<vmem>> -> memref<128x128xf32, #tpu.memory_space<vmem>>
      %dma_wait3A_728 = arith.constant 0 : i32
      %dma_wait3A_729 = tpu.memref_slice %arg8[%dma_wait3A_721, %dma_wait3A_722, %dma_wait3A_723, %dma_wait3A_728] : memref<4x25x2x128xi32, #tpu.memory_space<vmem>> -> memref<1x1x1x128xi32, #tpu.memory_space<vmem>>
      %dma_wait3A_730 = tpu.memref_squeeze %dma_wait3A_729 : memref<1x1x1x128xi32, #tpu.memory_space<vmem>> -> memref<128xi32, #tpu.memory_space<vmem>>
      %dma_wait3A_731 = arith.constant 0 : i32
      %dma_wait3A_732 = arith.constant 0 : i32
      %dma_wait3A_733 = tpu.memref_slice %arg5[%dma_wait3A_731, %dma_wait3A_732] : memref<100000x128xf32, #tpu.memory_space<hbm>> -> memref<100000x128xf32, #tpu.memory_space<hbm>>
      %dma_wait3A_734 = tpu.memref_slice %arg12[%dma_wait3A_724] : memref<9x!tpu.dma_semaphore, #tpu.memory_space<semaphore_mem>> -> memref<1x!tpu.dma_semaphore, #tpu.memory_space<semaphore_mem>>
      %dma_wait3A_735 = tpu.memref_squeeze %dma_wait3A_734 : memref<1x!tpu.dma_semaphore, #tpu.memory_space<semaphore_mem>> -> memref<!tpu.dma_semaphore, #tpu.memory_space<semaphore_mem>>
      tpu.wait_indirect_dma semaphore(%dma_wait3A_735 : memref<!tpu.dma_semaphore, #tpu.memory_space<semaphore_mem>>) src(%dma_wait3A_733 : memref<100000x128xf32, #tpu.memory_space<hbm>>) dst(%dma_wait3A_727 : memref<128x128xf32, #tpu.memory_space<vmem>>)
      %dma_wait3A_736 = arith.constant 2 : i32
      %dma_wait3A_737 = arith.constant 0 : i32
      %dma_wait3A_738 = arith.constant 1 : i32
      %dma_wait3A_739 = arith.constant 4 : i32
      %dma_wait3A_740 = arith.constant 128 : i32
      %dma_wait3A_741 = arith.constant 0 : i32
      %dma_wait3A_742 = tpu.memref_slice %arg10[%dma_wait3A_740, %dma_wait3A_741] : memref<256x128xf32, #tpu.memory_space<vmem>> -> memref<128x128xf32, #tpu.memory_space<vmem>>
      %dma_wait3A_743 = arith.constant 0 : i32
      %dma_wait3A_744 = tpu.memref_slice %arg8[%dma_wait3A_736, %dma_wait3A_737, %dma_wait3A_738, %dma_wait3A_743] : memref<4x25x2x128xi32, #tpu.memory_space<vmem>> -> memref<1x1x1x128xi32, #tpu.memory_space<vmem>>
      %dma_wait3A_745 = tpu.memref_squeeze %dma_wait3A_744 : memref<1x1x1x128xi32, #tpu.memory_space<vmem>> -> memref<128xi32, #tpu.memory_space<vmem>>
      %dma_wait3A_746 = arith.constant 0 : i32
      %dma_wait3A_747 = arith.constant 0 : i32
      %dma_wait3A_748 = tpu.memref_slice %arg5[%dma_wait3A_746, %dma_wait3A_747] : memref<100000x128xf32, #tpu.memory_space<hbm>> -> memref<100000x128xf32, #tpu.memory_space<hbm>>
      %dma_wait3A_749 = tpu.memref_slice %arg12[%dma_wait3A_739] : memref<9x!tpu.dma_semaphore, #tpu.memory_space<semaphore_mem>> -> memref<1x!tpu.dma_semaphore, #tpu.memory_space<semaphore_mem>>
      %dma_wait3A_750 = tpu.memref_squeeze %dma_wait3A_749 : memref<1x!tpu.dma_semaphore, #tpu.memory_space<semaphore_mem>> -> memref<!tpu.dma_semaphore, #tpu.memory_space<semaphore_mem>>
      tpu.wait_indirect_dma semaphore(%dma_wait3A_750 : memref<!tpu.dma_semaphore, #tpu.memory_space<semaphore_mem>>) src(%dma_wait3A_748 : memref<100000x128xf32, #tpu.memory_space<hbm>>) dst(%dma_wait3A_742 : memref<128x128xf32, #tpu.memory_space<vmem>>)
      %dma_wait3A_751 = arith.constant 3 : i32
      %dma_wait3A_752 = arith.constant 0 : i32
      %dma_wait3A_753 = arith.constant 0 : i32
      %dma_wait3A_754 = arith.constant 4 : i32
      %dma_wait3A_755 = arith.constant 0 : i32
      %dma_wait3A_756 = arith.constant 0 : i32
      %dma_wait3A_757 = tpu.memref_slice %arg10[%dma_wait3A_755, %dma_wait3A_756] : memref<256x128xf32, #tpu.memory_space<vmem>> -> memref<128x128xf32, #tpu.memory_space<vmem>>
      %dma_wait3A_758 = arith.constant 0 : i32
      %dma_wait3A_759 = tpu.memref_slice %arg8[%dma_wait3A_751, %dma_wait3A_752, %dma_wait3A_753, %dma_wait3A_758] : memref<4x25x2x128xi32, #tpu.memory_space<vmem>> -> memref<1x1x1x128xi32, #tpu.memory_space<vmem>>
      %dma_wait3A_760 = tpu.memref_squeeze %dma_wait3A_759 : memref<1x1x1x128xi32, #tpu.memory_space<vmem>> -> memref<128xi32, #tpu.memory_space<vmem>>
      %dma_wait3A_761 = arith.constant 0 : i32
      %dma_wait3A_762 = arith.constant 0 : i32
      %dma_wait3A_763 = tpu.memref_slice %arg6[%dma_wait3A_761, %dma_wait3A_762] : memref<100000x128xf32, #tpu.memory_space<hbm>> -> memref<100000x128xf32, #tpu.memory_space<hbm>>
      %dma_wait3A_764 = tpu.memref_slice %arg12[%dma_wait3A_754] : memref<9x!tpu.dma_semaphore, #tpu.memory_space<semaphore_mem>> -> memref<1x!tpu.dma_semaphore, #tpu.memory_space<semaphore_mem>>
      %dma_wait3A_765 = tpu.memref_squeeze %dma_wait3A_764 : memref<1x!tpu.dma_semaphore, #tpu.memory_space<semaphore_mem>> -> memref<!tpu.dma_semaphore, #tpu.memory_space<semaphore_mem>>
      tpu.wait_indirect_dma semaphore(%dma_wait3A_765 : memref<!tpu.dma_semaphore, #tpu.memory_space<semaphore_mem>>) src(%dma_wait3A_763 : memref<100000x128xf32, #tpu.memory_space<hbm>>) dst(%dma_wait3A_757 : memref<128x128xf32, #tpu.memory_space<vmem>>)
      %dma_wait3A_766 = arith.constant 3 : i32
      %dma_wait3A_767 = arith.constant 0 : i32
      %dma_wait3A_768 = arith.constant 1 : i32
      %dma_wait3A_769 = arith.constant 4 : i32
      %dma_wait3A_770 = arith.constant 128 : i32
      %dma_wait3A_771 = arith.constant 0 : i32
      %dma_wait3A_772 = tpu.memref_slice %arg10[%dma_wait3A_770, %dma_wait3A_771] : memref<256x128xf32, #tpu.memory_space<vmem>> -> memref<128x128xf32, #tpu.memory_space<vmem>>
      %dma_wait3A_773 = arith.constant 0 : i32
      %dma_wait3A_774 = tpu.memref_slice %arg8[%dma_wait3A_766, %dma_wait3A_767, %dma_wait3A_768, %dma_wait3A_773] : memref<4x25x2x128xi32, #tpu.memory_space<vmem>> -> memref<1x1x1x128xi32, #tpu.memory_space<vmem>>
      %dma_wait3A_775 = tpu.memref_squeeze %dma_wait3A_774 : memref<1x1x1x128xi32, #tpu.memory_space<vmem>> -> memref<128xi32, #tpu.memory_space<vmem>>
      %dma_wait3A_776 = arith.constant 0 : i32
      %dma_wait3A_777 = arith.constant 0 : i32
      %dma_wait3A_778 = tpu.memref_slice %arg6[%dma_wait3A_776, %dma_wait3A_777] : memref<100000x128xf32, #tpu.memory_space<hbm>> -> memref<100000x128xf32, #tpu.memory_space<hbm>>
      %dma_wait3A_779 = tpu.memref_slice %arg12[%dma_wait3A_769] : memref<9x!tpu.dma_semaphore, #tpu.memory_space<semaphore_mem>> -> memref<1x!tpu.dma_semaphore, #tpu.memory_space<semaphore_mem>>
      %dma_wait3A_780 = tpu.memref_squeeze %dma_wait3A_779 : memref<1x!tpu.dma_semaphore, #tpu.memory_space<semaphore_mem>> -> memref<!tpu.dma_semaphore, #tpu.memory_space<semaphore_mem>>
      tpu.wait_indirect_dma semaphore(%dma_wait3A_780 : memref<!tpu.dma_semaphore, #tpu.memory_space<semaphore_mem>>) src(%dma_wait3A_778 : memref<100000x128xf32, #tpu.memory_space<hbm>>) dst(%dma_wait3A_772 : memref<128x128xf32, #tpu.memory_space<vmem>>)
      %add3A_781 = arith.constant 1 : i32
      %add3A_782 = arith.addi %mul3A_293, %add3A_781 : i32
      %add3A_783 = arith.addi %mul3A_2, %add3A_782 : i32
      %mul3A_784 = arith.constant 256 : i32
      %mul3A_785 = arith.muli %add3A_783, %mul3A_784 : i32
      %dma_start3A_786 = arith.constant 7 : i32
      %dma_start3A_787 = arith.constant 0 : i32
      %dma_start3A_788 = tpu.memref_slice %arg7[%mul3A_785, %dma_start3A_787] : memref<204800x128xf32, #tpu.memory_space<hbm>> -> memref<256x128xf32, #tpu.memory_space<hbm>>
      %dma_start3A_789 = tpu.memref_slice %arg12[%dma_start3A_786] : memref<9x!tpu.dma_semaphore, #tpu.memory_space<semaphore_mem>> -> memref<1x!tpu.dma_semaphore, #tpu.memory_space<semaphore_mem>>
      %dma_start3A_790 = tpu.memref_squeeze %dma_start3A_789 : memref<1x!tpu.dma_semaphore, #tpu.memory_space<semaphore_mem>> -> memref<!tpu.dma_semaphore, #tpu.memory_space<semaphore_mem>>
      %dma_start3A_791 = arith.constant 0 : i32
      %dma_start3A_792 = tpu.memref_slice %arg7[%mul3A_785, %dma_start3A_791] : memref<204800x128xf32, #tpu.memory_space<hbm>> -> memref<256x128xf32, #tpu.memory_space<hbm>>
      tpu.enqueue_dma source(%arg10 : memref<256x128xf32, #tpu.memory_space<vmem>>) target(%dma_start3A_792 : memref<256x128xf32, #tpu.memory_space<hbm>>) target_semaphore(%dma_start3A_790 : memref<!tpu.dma_semaphore, #tpu.memory_space<semaphore_mem>>)
      %dma_wait3A_793 = arith.constant 0 : i32
      %dma_wait3A_794 = arith.constant 0 : i32
      %dma_wait3A_795 = arith.constant 0 : i32
      %dma_wait3A_796 = arith.constant 2 : i32
      %dma_wait3A_797 = arith.constant 0 : i32
      %dma_wait3A_798 = arith.constant 0 : i32
      %dma_wait3A_799 = tpu.memref_slice %arg11[%dma_wait3A_797, %dma_wait3A_798] : memref<256x128xf32, #tpu.memory_space<vmem>> -> memref<128x128xf32, #tpu.memory_space<vmem>>
      %dma_wait3A_800 = arith.constant 0 : i32
      %dma_wait3A_801 = tpu.memref_slice %arg8[%dma_wait3A_793, %dma_wait3A_794, %dma_wait3A_795, %dma_wait3A_800] : memref<4x25x2x128xi32, #tpu.memory_space<vmem>> -> memref<1x1x1x128xi32, #tpu.memory_space<vmem>>
      %dma_wait3A_802 = tpu.memref_squeeze %dma_wait3A_801 : memref<1x1x1x128xi32, #tpu.memory_space<vmem>> -> memref<128xi32, #tpu.memory_space<vmem>>
      %dma_wait3A_803 = arith.constant 0 : i32
      %dma_wait3A_804 = arith.constant 0 : i32
      %dma_wait3A_805 = tpu.memref_slice %arg3[%dma_wait3A_803, %dma_wait3A_804] : memref<100000x128xf32, #tpu.memory_space<hbm>> -> memref<100000x128xf32, #tpu.memory_space<hbm>>
      %dma_wait3A_806 = tpu.memref_slice %arg12[%dma_wait3A_796] : memref<9x!tpu.dma_semaphore, #tpu.memory_space<semaphore_mem>> -> memref<1x!tpu.dma_semaphore, #tpu.memory_space<semaphore_mem>>
      %dma_wait3A_807 = tpu.memref_squeeze %dma_wait3A_806 : memref<1x!tpu.dma_semaphore, #tpu.memory_space<semaphore_mem>> -> memref<!tpu.dma_semaphore, #tpu.memory_space<semaphore_mem>>
      tpu.wait_indirect_dma semaphore(%dma_wait3A_807 : memref<!tpu.dma_semaphore, #tpu.memory_space<semaphore_mem>>) src(%dma_wait3A_805 : memref<100000x128xf32, #tpu.memory_space<hbm>>) dst(%dma_wait3A_799 : memref<128x128xf32, #tpu.memory_space<vmem>>)
      %dma_wait3A_808 = arith.constant 0 : i32
      %dma_wait3A_809 = arith.constant 0 : i32
      %dma_wait3A_810 = arith.constant 1 : i32
      %dma_wait3A_811 = arith.constant 2 : i32
      %dma_wait3A_812 = arith.constant 128 : i32
      %dma_wait3A_813 = arith.constant 0 : i32
      %dma_wait3A_814 = tpu.memref_slice %arg11[%dma_wait3A_812, %dma_wait3A_813] : memref<256x128xf32, #tpu.memory_space<vmem>> -> memref<128x128xf32, #tpu.memory_space<vmem>>
      %dma_wait3A_815 = arith.constant 0 : i32
      %dma_wait3A_816 = tpu.memref_slice %arg8[%dma_wait3A_808, %dma_wait3A_809, %dma_wait3A_810, %dma_wait3A_815] : memref<4x25x2x128xi32, #tpu.memory_space<vmem>> -> memref<1x1x1x128xi32, #tpu.memory_space<vmem>>
      %dma_wait3A_817 = tpu.memref_squeeze %dma_wait3A_816 : memref<1x1x1x128xi32, #tpu.memory_space<vmem>> -> memref<128xi32, #tpu.memory_space<vmem>>
      %dma_wait3A_818 = arith.constant 0 : i32
      %dma_wait3A_819 = arith.constant 0 : i32
      %dma_wait3A_820 = tpu.memref_slice %arg3[%dma_wait3A_818, %dma_wait3A_819] : memref<100000x128xf32, #tpu.memory_space<hbm>> -> memref<100000x128xf32, #tpu.memory_space<hbm>>
      %dma_wait3A_821 = tpu.memref_slice %arg12[%dma_wait3A_811] : memref<9x!tpu.dma_semaphore, #tpu.memory_space<semaphore_mem>> -> memref<1x!tpu.dma_semaphore, #tpu.memory_space<semaphore_mem>>
      %dma_wait3A_822 = tpu.memref_squeeze %dma_wait3A_821 : memref<1x!tpu.dma_semaphore, #tpu.memory_space<semaphore_mem>> -> memref<!tpu.dma_semaphore, #tpu.memory_space<semaphore_mem>>
      tpu.wait_indirect_dma semaphore(%dma_wait3A_822 : memref<!tpu.dma_semaphore, #tpu.memory_space<semaphore_mem>>) src(%dma_wait3A_820 : memref<100000x128xf32, #tpu.memory_space<hbm>>) dst(%dma_wait3A_814 : memref<128x128xf32, #tpu.memory_space<vmem>>)
      %add3A_823 = arith.constant 2 : i32
      %add3A_824 = arith.addi %mul3A_293, %add3A_823 : i32
      %dma_start3A_825 = arith.constant 1 : i32
      %dma_start3A_826 = arith.constant 0 : i32
      %dma_start3A_827 = arith.constant 5 : i32
      %dma_start3A_828 = arith.constant 0 : i32
      %dma_start3A_829 = arith.constant 0 : i32
      %dma_start3A_830 = tpu.memref_slice %arg11[%dma_start3A_828, %dma_start3A_829] : memref<256x128xf32, #tpu.memory_space<vmem>> -> memref<128x128xf32, #tpu.memory_space<vmem>>
      %dma_start3A_831 = arith.constant 0 : i32
      %dma_start3A_832 = tpu.memref_slice %arg8[%dma_start3A_825, %add3A_824, %dma_start3A_826, %dma_start3A_831] : memref<4x25x2x128xi32, #tpu.memory_space<vmem>> -> memref<1x1x1x128xi32, #tpu.memory_space<vmem>>
      %dma_start3A_833 = tpu.memref_squeeze %dma_start3A_832 : memref<1x1x1x128xi32, #tpu.memory_space<vmem>> -> memref<128xi32, #tpu.memory_space<vmem>>
      %dma_start3A_834 = arith.constant 0 : i32
      %dma_start3A_835 = arith.constant 0 : i32
      %dma_start3A_836 = tpu.memref_slice %arg4[%dma_start3A_834, %dma_start3A_835] : memref<100000x128xf32, #tpu.memory_space<hbm>> -> memref<100000x128xf32, #tpu.memory_space<hbm>>
      %dma_start3A_837 = tpu.memref_slice %arg12[%dma_start3A_827] : memref<9x!tpu.dma_semaphore, #tpu.memory_space<semaphore_mem>> -> memref<1x!tpu.dma_semaphore, #tpu.memory_space<semaphore_mem>>
      %dma_start3A_838 = tpu.memref_squeeze %dma_start3A_837 : memref<1x!tpu.dma_semaphore, #tpu.memory_space<semaphore_mem>> -> memref<!tpu.dma_semaphore, #tpu.memory_space<semaphore_mem>>
      tpu.enqueue_indirect_dma source(%dma_start3A_836 : memref<100000x128xf32, #tpu.memory_space<hbm>>) target(%dma_start3A_830 : memref<128x128xf32, #tpu.memory_space<vmem>>) offsets(%dma_start3A_833 : memref<128xi32, #tpu.memory_space<vmem>>) semaphore(%dma_start3A_838 : memref<!tpu.dma_semaphore, #tpu.memory_space<semaphore_mem>>) {add = true}
      %dma_start3A_839 = arith.constant 1 : i32
      %dma_start3A_840 = arith.constant 1 : i32
      %dma_start3A_841 = arith.constant 5 : i32
      %dma_start3A_842 = arith.constant 128 : i32
      %dma_start3A_843 = arith.constant 0 : i32
      %dma_start3A_844 = tpu.memref_slice %arg11[%dma_start3A_842, %dma_start3A_843] : memref<256x128xf32, #tpu.memory_space<vmem>> -> memref<128x128xf32, #tpu.memory_space<vmem>>
      %dma_start3A_845 = arith.constant 0 : i32
      %dma_start3A_846 = tpu.memref_slice %arg8[%dma_start3A_839, %add3A_824, %dma_start3A_840, %dma_start3A_845] : memref<4x25x2x128xi32, #tpu.memory_space<vmem>> -> memref<1x1x1x128xi32, #tpu.memory_space<vmem>>
      %dma_start3A_847 = tpu.memref_squeeze %dma_start3A_846 : memref<1x1x1x128xi32, #tpu.memory_space<vmem>> -> memref<128xi32, #tpu.memory_space<vmem>>
      %dma_start3A_848 = arith.constant 0 : i32
      %dma_start3A_849 = arith.constant 0 : i32
      %dma_start3A_850 = tpu.memref_slice %arg4[%dma_start3A_848, %dma_start3A_849] : memref<100000x128xf32, #tpu.memory_space<hbm>> -> memref<100000x128xf32, #tpu.memory_space<hbm>>
      %dma_start3A_851 = tpu.memref_slice %arg12[%dma_start3A_841] : memref<9x!tpu.dma_semaphore, #tpu.memory_space<semaphore_mem>> -> memref<1x!tpu.dma_semaphore, #tpu.memory_space<semaphore_mem>>
      %dma_start3A_852 = tpu.memref_squeeze %dma_start3A_851 : memref<1x!tpu.dma_semaphore, #tpu.memory_space<semaphore_mem>> -> memref<!tpu.dma_semaphore, #tpu.memory_space<semaphore_mem>>
      tpu.enqueue_indirect_dma source(%dma_start3A_850 : memref<100000x128xf32, #tpu.memory_space<hbm>>) target(%dma_start3A_844 : memref<128x128xf32, #tpu.memory_space<vmem>>) offsets(%dma_start3A_847 : memref<128xi32, #tpu.memory_space<vmem>>) semaphore(%dma_start3A_852 : memref<!tpu.dma_semaphore, #tpu.memory_space<semaphore_mem>>) {add = true}
      %dma_start3A_853 = arith.constant 2 : i32
      %dma_start3A_854 = arith.constant 0 : i32
      %dma_start3A_855 = arith.constant 5 : i32
      %dma_start3A_856 = arith.constant 0 : i32
      %dma_start3A_857 = arith.constant 0 : i32
      %dma_start3A_858 = tpu.memref_slice %arg11[%dma_start3A_856, %dma_start3A_857] : memref<256x128xf32, #tpu.memory_space<vmem>> -> memref<128x128xf32, #tpu.memory_space<vmem>>
      %dma_start3A_859 = arith.constant 0 : i32
      %dma_start3A_860 = tpu.memref_slice %arg8[%dma_start3A_853, %add3A_824, %dma_start3A_854, %dma_start3A_859] : memref<4x25x2x128xi32, #tpu.memory_space<vmem>> -> memref<1x1x1x128xi32, #tpu.memory_space<vmem>>
      %dma_start3A_861 = tpu.memref_squeeze %dma_start3A_860 : memref<1x1x1x128xi32, #tpu.memory_space<vmem>> -> memref<128xi32, #tpu.memory_space<vmem>>
      %dma_start3A_862 = arith.constant 0 : i32
      %dma_start3A_863 = arith.constant 0 : i32
      %dma_start3A_864 = tpu.memref_slice %arg5[%dma_start3A_862, %dma_start3A_863] : memref<100000x128xf32, #tpu.memory_space<hbm>> -> memref<100000x128xf32, #tpu.memory_space<hbm>>
      %dma_start3A_865 = tpu.memref_slice %arg12[%dma_start3A_855] : memref<9x!tpu.dma_semaphore, #tpu.memory_space<semaphore_mem>> -> memref<1x!tpu.dma_semaphore, #tpu.memory_space<semaphore_mem>>
      %dma_start3A_866 = tpu.memref_squeeze %dma_start3A_865 : memref<1x!tpu.dma_semaphore, #tpu.memory_space<semaphore_mem>> -> memref<!tpu.dma_semaphore, #tpu.memory_space<semaphore_mem>>
      tpu.enqueue_indirect_dma source(%dma_start3A_864 : memref<100000x128xf32, #tpu.memory_space<hbm>>) target(%dma_start3A_858 : memref<128x128xf32, #tpu.memory_space<vmem>>) offsets(%dma_start3A_861 : memref<128xi32, #tpu.memory_space<vmem>>) semaphore(%dma_start3A_866 : memref<!tpu.dma_semaphore, #tpu.memory_space<semaphore_mem>>) {add = true}
      %dma_start3A_867 = arith.constant 2 : i32
      %dma_start3A_868 = arith.constant 1 : i32
      %dma_start3A_869 = arith.constant 5 : i32
      %dma_start3A_870 = arith.constant 128 : i32
      %dma_start3A_871 = arith.constant 0 : i32
      %dma_start3A_872 = tpu.memref_slice %arg11[%dma_start3A_870, %dma_start3A_871] : memref<256x128xf32, #tpu.memory_space<vmem>> -> memref<128x128xf32, #tpu.memory_space<vmem>>
      %dma_start3A_873 = arith.constant 0 : i32
      %dma_start3A_874 = tpu.memref_slice %arg8[%dma_start3A_867, %add3A_824, %dma_start3A_868, %dma_start3A_873] : memref<4x25x2x128xi32, #tpu.memory_space<vmem>> -> memref<1x1x1x128xi32, #tpu.memory_space<vmem>>
      %dma_start3A_875 = tpu.memref_squeeze %dma_start3A_874 : memref<1x1x1x128xi32, #tpu.memory_space<vmem>> -> memref<128xi32, #tpu.memory_space<vmem>>
      %dma_start3A_876 = arith.constant 0 : i32
      %dma_start3A_877 = arith.constant 0 : i32
      %dma_start3A_878 = tpu.memref_slice %arg5[%dma_start3A_876, %dma_start3A_877] : memref<100000x128xf32, #tpu.memory_space<hbm>> -> memref<100000x128xf32, #tpu.memory_space<hbm>>
      %dma_start3A_879 = tpu.memref_slice %arg12[%dma_start3A_869] : memref<9x!tpu.dma_semaphore, #tpu.memory_space<semaphore_mem>> -> memref<1x!tpu.dma_semaphore, #tpu.memory_space<semaphore_mem>>
      %dma_start3A_880 = tpu.memref_squeeze %dma_start3A_879 : memref<1x!tpu.dma_semaphore, #tpu.memory_space<semaphore_mem>> -> memref<!tpu.dma_semaphore, #tpu.memory_space<semaphore_mem>>
      tpu.enqueue_indirect_dma source(%dma_start3A_878 : memref<100000x128xf32, #tpu.memory_space<hbm>>) target(%dma_start3A_872 : memref<128x128xf32, #tpu.memory_space<vmem>>) offsets(%dma_start3A_875 : memref<128xi32, #tpu.memory_space<vmem>>) semaphore(%dma_start3A_880 : memref<!tpu.dma_semaphore, #tpu.memory_space<semaphore_mem>>) {add = true}
      %dma_start3A_881 = arith.constant 3 : i32
      %dma_start3A_882 = arith.constant 0 : i32
      %dma_start3A_883 = arith.constant 5 : i32
      %dma_start3A_884 = arith.constant 0 : i32
      %dma_start3A_885 = arith.constant 0 : i32
      %dma_start3A_886 = tpu.memref_slice %arg11[%dma_start3A_884, %dma_start3A_885] : memref<256x128xf32, #tpu.memory_space<vmem>> -> memref<128x128xf32, #tpu.memory_space<vmem>>
      %dma_start3A_887 = arith.constant 0 : i32
      %dma_start3A_888 = tpu.memref_slice %arg8[%dma_start3A_881, %add3A_824, %dma_start3A_882, %dma_start3A_887] : memref<4x25x2x128xi32, #tpu.memory_space<vmem>> -> memref<1x1x1x128xi32, #tpu.memory_space<vmem>>
      %dma_start3A_889 = tpu.memref_squeeze %dma_start3A_888 : memref<1x1x1x128xi32, #tpu.memory_space<vmem>> -> memref<128xi32, #tpu.memory_space<vmem>>
      %dma_start3A_890 = arith.constant 0 : i32
      %dma_start3A_891 = arith.constant 0 : i32
      %dma_start3A_892 = tpu.memref_slice %arg6[%dma_start3A_890, %dma_start3A_891] : memref<100000x128xf32, #tpu.memory_space<hbm>> -> memref<100000x128xf32, #tpu.memory_space<hbm>>
      %dma_start3A_893 = tpu.memref_slice %arg12[%dma_start3A_883] : memref<9x!tpu.dma_semaphore, #tpu.memory_space<semaphore_mem>> -> memref<1x!tpu.dma_semaphore, #tpu.memory_space<semaphore_mem>>
      %dma_start3A_894 = tpu.memref_squeeze %dma_start3A_893 : memref<1x!tpu.dma_semaphore, #tpu.memory_space<semaphore_mem>> -> memref<!tpu.dma_semaphore, #tpu.memory_space<semaphore_mem>>
      tpu.enqueue_indirect_dma source(%dma_start3A_892 : memref<100000x128xf32, #tpu.memory_space<hbm>>) target(%dma_start3A_886 : memref<128x128xf32, #tpu.memory_space<vmem>>) offsets(%dma_start3A_889 : memref<128xi32, #tpu.memory_space<vmem>>) semaphore(%dma_start3A_894 : memref<!tpu.dma_semaphore, #tpu.memory_space<semaphore_mem>>) {add = true}
      %dma_start3A_895 = arith.constant 3 : i32
      %dma_start3A_896 = arith.constant 1 : i32
      %dma_start3A_897 = arith.constant 5 : i32
      %dma_start3A_898 = arith.constant 128 : i32
      %dma_start3A_899 = arith.constant 0 : i32
      %dma_start3A_900 = tpu.memref_slice %arg11[%dma_start3A_898, %dma_start3A_899] : memref<256x128xf32, #tpu.memory_space<vmem>> -> memref<128x128xf32, #tpu.memory_space<vmem>>
      %dma_start3A_901 = arith.constant 0 : i32
      %dma_start3A_902 = tpu.memref_slice %arg8[%dma_start3A_895, %add3A_824, %dma_start3A_896, %dma_start3A_901] : memref<4x25x2x128xi32, #tpu.memory_space<vmem>> -> memref<1x1x1x128xi32, #tpu.memory_space<vmem>>
      %dma_start3A_903 = tpu.memref_squeeze %dma_start3A_902 : memref<1x1x1x128xi32, #tpu.memory_space<vmem>> -> memref<128xi32, #tpu.memory_space<vmem>>
      %dma_start3A_904 = arith.constant 0 : i32
      %dma_start3A_905 = arith.constant 0 : i32
      %dma_start3A_906 = tpu.memref_slice %arg6[%dma_start3A_904, %dma_start3A_905] : memref<100000x128xf32, #tpu.memory_space<hbm>> -> memref<100000x128xf32, #tpu.memory_space<hbm>>
      %dma_start3A_907 = tpu.memref_slice %arg12[%dma_start3A_897] : memref<9x!tpu.dma_semaphore, #tpu.memory_space<semaphore_mem>> -> memref<1x!tpu.dma_semaphore, #tpu.memory_space<semaphore_mem>>
      %dma_start3A_908 = tpu.memref_squeeze %dma_start3A_907 : memref<1x!tpu.dma_semaphore, #tpu.memory_space<semaphore_mem>> -> memref<!tpu.dma_semaphore, #tpu.memory_space<semaphore_mem>>
      tpu.enqueue_indirect_dma source(%dma_start3A_906 : memref<100000x128xf32, #tpu.memory_space<hbm>>) target(%dma_start3A_900 : memref<128x128xf32, #tpu.memory_space<vmem>>) offsets(%dma_start3A_903 : memref<128xi32, #tpu.memory_space<vmem>>) semaphore(%dma_start3A_908 : memref<!tpu.dma_semaphore, #tpu.memory_space<semaphore_mem>>) {add = true}
      %dma_wait3A_909 = arith.constant 6 : i32
      %dma_wait3A_910 = arith.constant 0 : i32
      %dma_wait3A_911 = arith.constant 0 : i32
      %dma_wait3A_912 = tpu.memref_slice %arg7[%dma_wait3A_910, %dma_wait3A_911] : memref<204800x128xf32, #tpu.memory_space<hbm>> -> memref<256x128xf32, #tpu.memory_space<hbm>>
      %dma_wait3A_913 = tpu.memref_slice %arg12[%dma_wait3A_909] : memref<9x!tpu.dma_semaphore, #tpu.memory_space<semaphore_mem>> -> memref<1x!tpu.dma_semaphore, #tpu.memory_space<semaphore_mem>>
      %dma_wait3A_914 = tpu.memref_squeeze %dma_wait3A_913 : memref<1x!tpu.dma_semaphore, #tpu.memory_space<semaphore_mem>> -> memref<!tpu.dma_semaphore, #tpu.memory_space<semaphore_mem>>
      %dma_wait3A_915 = arith.constant 0 : i32
      %dma_wait3A_916 = arith.constant 0 : i32
      %dma_wait3A_917 = tpu.memref_slice %arg7[%dma_wait3A_915, %dma_wait3A_916] : memref<204800x128xf32, #tpu.memory_space<hbm>> -> memref<256x128xf32, #tpu.memory_space<hbm>>
      tpu.wait_dma2 semaphore(%dma_wait3A_914 : memref<!tpu.dma_semaphore, #tpu.memory_space<semaphore_mem>>) src(%arg9 : memref<256x128xf32, #tpu.memory_space<vmem>>) dst(%dma_wait3A_917 : memref<256x128xf32, #tpu.memory_space<hbm>>)
      %add3A_918 = arith.constant 3 : i32
      %add3A_919 = arith.addi %mul3A_293, %add3A_918 : i32
      %dma_start3A_920 = arith.constant 0 : i32
      %dma_start3A_921 = arith.constant 0 : i32
      %dma_start3A_922 = arith.constant 0 : i32
      %dma_start3A_923 = arith.constant 0 : i32
      %dma_start3A_924 = arith.constant 0 : i32
      %dma_start3A_925 = tpu.memref_slice %arg9[%dma_start3A_923, %dma_start3A_924] : memref<256x128xf32, #tpu.memory_space<vmem>> -> memref<128x128xf32, #tpu.memory_space<vmem>>
      %dma_start3A_926 = arith.constant 0 : i32
      %dma_start3A_927 = tpu.memref_slice %arg8[%dma_start3A_920, %add3A_919, %dma_start3A_921, %dma_start3A_926] : memref<4x25x2x128xi32, #tpu.memory_space<vmem>> -> memref<1x1x1x128xi32, #tpu.memory_space<vmem>>
      %dma_start3A_928 = tpu.memref_squeeze %dma_start3A_927 : memref<1x1x1x128xi32, #tpu.memory_space<vmem>> -> memref<128xi32, #tpu.memory_space<vmem>>
      %dma_start3A_929 = arith.constant 0 : i32
      %dma_start3A_930 = arith.constant 0 : i32
      %dma_start3A_931 = tpu.memref_slice %arg3[%dma_start3A_929, %dma_start3A_930] : memref<100000x128xf32, #tpu.memory_space<hbm>> -> memref<100000x128xf32, #tpu.memory_space<hbm>>
      %dma_start3A_932 = tpu.memref_slice %arg12[%dma_start3A_922] : memref<9x!tpu.dma_semaphore, #tpu.memory_space<semaphore_mem>> -> memref<1x!tpu.dma_semaphore, #tpu.memory_space<semaphore_mem>>
      %dma_start3A_933 = tpu.memref_squeeze %dma_start3A_932 : memref<1x!tpu.dma_semaphore, #tpu.memory_space<semaphore_mem>> -> memref<!tpu.dma_semaphore, #tpu.memory_space<semaphore_mem>>
      tpu.enqueue_indirect_dma source(%dma_start3A_931 : memref<100000x128xf32, #tpu.memory_space<hbm>>) target(%dma_start3A_925 : memref<128x128xf32, #tpu.memory_space<vmem>>) offsets(%dma_start3A_928 : memref<128xi32, #tpu.memory_space<vmem>>) semaphore(%dma_start3A_933 : memref<!tpu.dma_semaphore, #tpu.memory_space<semaphore_mem>>)
      %dma_start3A_934 = arith.constant 0 : i32
      %dma_start3A_935 = arith.constant 1 : i32
      %dma_start3A_936 = arith.constant 0 : i32
      %dma_start3A_937 = arith.constant 128 : i32
      %dma_start3A_938 = arith.constant 0 : i32
      %dma_start3A_939 = tpu.memref_slice %arg9[%dma_start3A_937, %dma_start3A_938] : memref<256x128xf32, #tpu.memory_space<vmem>> -> memref<128x128xf32, #tpu.memory_space<vmem>>
      %dma_start3A_940 = arith.constant 0 : i32
      %dma_start3A_941 = tpu.memref_slice %arg8[%dma_start3A_934, %add3A_919, %dma_start3A_935, %dma_start3A_940] : memref<4x25x2x128xi32, #tpu.memory_space<vmem>> -> memref<1x1x1x128xi32, #tpu.memory_space<vmem>>
      %dma_start3A_942 = tpu.memref_squeeze %dma_start3A_941 : memref<1x1x1x128xi32, #tpu.memory_space<vmem>> -> memref<128xi32, #tpu.memory_space<vmem>>
      %dma_start3A_943 = arith.constant 0 : i32
      %dma_start3A_944 = arith.constant 0 : i32
      %dma_start3A_945 = tpu.memref_slice %arg3[%dma_start3A_943, %dma_start3A_944] : memref<100000x128xf32, #tpu.memory_space<hbm>> -> memref<100000x128xf32, #tpu.memory_space<hbm>>
      %dma_start3A_946 = tpu.memref_slice %arg12[%dma_start3A_936] : memref<9x!tpu.dma_semaphore, #tpu.memory_space<semaphore_mem>> -> memref<1x!tpu.dma_semaphore, #tpu.memory_space<semaphore_mem>>
      %dma_start3A_947 = tpu.memref_squeeze %dma_start3A_946 : memref<1x!tpu.dma_semaphore, #tpu.memory_space<semaphore_mem>> -> memref<!tpu.dma_semaphore, #tpu.memory_space<semaphore_mem>>
      tpu.enqueue_indirect_dma source(%dma_start3A_945 : memref<100000x128xf32, #tpu.memory_space<hbm>>) target(%dma_start3A_939 : memref<128x128xf32, #tpu.memory_space<vmem>>) offsets(%dma_start3A_942 : memref<128xi32, #tpu.memory_space<vmem>>) semaphore(%dma_start3A_947 : memref<!tpu.dma_semaphore, #tpu.memory_space<semaphore_mem>>)
      %dma_wait3A_948 = arith.constant 1 : i32
      %dma_wait3A_949 = arith.constant 0 : i32
      %dma_wait3A_950 = arith.constant 0 : i32
      %dma_wait3A_951 = arith.constant 5 : i32
      %dma_wait3A_952 = arith.constant 0 : i32
      %dma_wait3A_953 = arith.constant 0 : i32
      %dma_wait3A_954 = tpu.memref_slice %arg11[%dma_wait3A_952, %dma_wait3A_953] : memref<256x128xf32, #tpu.memory_space<vmem>> -> memref<128x128xf32, #tpu.memory_space<vmem>>
      %dma_wait3A_955 = arith.constant 0 : i32
      %dma_wait3A_956 = tpu.memref_slice %arg8[%dma_wait3A_948, %dma_wait3A_949, %dma_wait3A_950, %dma_wait3A_955] : memref<4x25x2x128xi32, #tpu.memory_space<vmem>> -> memref<1x1x1x128xi32, #tpu.memory_space<vmem>>
      %dma_wait3A_957 = tpu.memref_squeeze %dma_wait3A_956 : memref<1x1x1x128xi32, #tpu.memory_space<vmem>> -> memref<128xi32, #tpu.memory_space<vmem>>
      %dma_wait3A_958 = arith.constant 0 : i32
      %dma_wait3A_959 = arith.constant 0 : i32
      %dma_wait3A_960 = tpu.memref_slice %arg4[%dma_wait3A_958, %dma_wait3A_959] : memref<100000x128xf32, #tpu.memory_space<hbm>> -> memref<100000x128xf32, #tpu.memory_space<hbm>>
      %dma_wait3A_961 = tpu.memref_slice %arg12[%dma_wait3A_951] : memref<9x!tpu.dma_semaphore, #tpu.memory_space<semaphore_mem>> -> memref<1x!tpu.dma_semaphore, #tpu.memory_space<semaphore_mem>>
      %dma_wait3A_962 = tpu.memref_squeeze %dma_wait3A_961 : memref<1x!tpu.dma_semaphore, #tpu.memory_space<semaphore_mem>> -> memref<!tpu.dma_semaphore, #tpu.memory_space<semaphore_mem>>
      tpu.wait_indirect_dma semaphore(%dma_wait3A_962 : memref<!tpu.dma_semaphore, #tpu.memory_space<semaphore_mem>>) src(%dma_wait3A_960 : memref<100000x128xf32, #tpu.memory_space<hbm>>) dst(%dma_wait3A_954 : memref<128x128xf32, #tpu.memory_space<vmem>>)
      %dma_wait3A_963 = arith.constant 1 : i32
      %dma_wait3A_964 = arith.constant 0 : i32
      %dma_wait3A_965 = arith.constant 1 : i32
      %dma_wait3A_966 = arith.constant 5 : i32
      %dma_wait3A_967 = arith.constant 128 : i32
      %dma_wait3A_968 = arith.constant 0 : i32
      %dma_wait3A_969 = tpu.memref_slice %arg11[%dma_wait3A_967, %dma_wait3A_968] : memref<256x128xf32, #tpu.memory_space<vmem>> -> memref<128x128xf32, #tpu.memory_space<vmem>>
      %dma_wait3A_970 = arith.constant 0 : i32
      %dma_wait3A_971 = tpu.memref_slice %arg8[%dma_wait3A_963, %dma_wait3A_964, %dma_wait3A_965, %dma_wait3A_970] : memref<4x25x2x128xi32, #tpu.memory_space<vmem>> -> memref<1x1x1x128xi32, #tpu.memory_space<vmem>>
      %dma_wait3A_972 = tpu.memref_squeeze %dma_wait3A_971 : memref<1x1x1x128xi32, #tpu.memory_space<vmem>> -> memref<128xi32, #tpu.memory_space<vmem>>
      %dma_wait3A_973 = arith.constant 0 : i32
      %dma_wait3A_974 = arith.constant 0 : i32
      %dma_wait3A_975 = tpu.memref_slice %arg4[%dma_wait3A_973, %dma_wait3A_974] : memref<100000x128xf32, #tpu.memory_space<hbm>> -> memref<100000x128xf32, #tpu.memory_space<hbm>>
      %dma_wait3A_976 = tpu.memref_slice %arg12[%dma_wait3A_966] : memref<9x!tpu.dma_semaphore, #tpu.memory_space<semaphore_mem>> -> memref<1x!tpu.dma_semaphore, #tpu.memory_space<semaphore_mem>>
      %dma_wait3A_977 = tpu.memref_squeeze %dma_wait3A_976 : memref<1x!tpu.dma_semaphore, #tpu.memory_space<semaphore_mem>> -> memref<!tpu.dma_semaphore, #tpu.memory_space<semaphore_mem>>
      tpu.wait_indirect_dma semaphore(%dma_wait3A_977 : memref<!tpu.dma_semaphore, #tpu.memory_space<semaphore_mem>>) src(%dma_wait3A_975 : memref<100000x128xf32, #tpu.memory_space<hbm>>) dst(%dma_wait3A_969 : memref<128x128xf32, #tpu.memory_space<vmem>>)
      %dma_wait3A_978 = arith.constant 2 : i32
      %dma_wait3A_979 = arith.constant 0 : i32
      %dma_wait3A_980 = arith.constant 0 : i32
      %dma_wait3A_981 = arith.constant 5 : i32
      %dma_wait3A_982 = arith.constant 0 : i32
      %dma_wait3A_983 = arith.constant 0 : i32
      %dma_wait3A_984 = tpu.memref_slice %arg11[%dma_wait3A_982, %dma_wait3A_983] : memref<256x128xf32, #tpu.memory_space<vmem>> -> memref<128x128xf32, #tpu.memory_space<vmem>>
      %dma_wait3A_985 = arith.constant 0 : i32
      %dma_wait3A_986 = tpu.memref_slice %arg8[%dma_wait3A_978, %dma_wait3A_979, %dma_wait3A_980, %dma_wait3A_985] : memref<4x25x2x128xi32, #tpu.memory_space<vmem>> -> memref<1x1x1x128xi32, #tpu.memory_space<vmem>>
      %dma_wait3A_987 = tpu.memref_squeeze %dma_wait3A_986 : memref<1x1x1x128xi32, #tpu.memory_space<vmem>> -> memref<128xi32, #tpu.memory_space<vmem>>
      %dma_wait3A_988 = arith.constant 0 : i32
      %dma_wait3A_989 = arith.constant 0 : i32
      %dma_wait3A_990 = tpu.memref_slice %arg5[%dma_wait3A_988, %dma_wait3A_989] : memref<100000x128xf32, #tpu.memory_space<hbm>> -> memref<100000x128xf32, #tpu.memory_space<hbm>>
      %dma_wait3A_991 = tpu.memref_slice %arg12[%dma_wait3A_981] : memref<9x!tpu.dma_semaphore, #tpu.memory_space<semaphore_mem>> -> memref<1x!tpu.dma_semaphore, #tpu.memory_space<semaphore_mem>>
      %dma_wait3A_992 = tpu.memref_squeeze %dma_wait3A_991 : memref<1x!tpu.dma_semaphore, #tpu.memory_space<semaphore_mem>> -> memref<!tpu.dma_semaphore, #tpu.memory_space<semaphore_mem>>
      tpu.wait_indirect_dma semaphore(%dma_wait3A_992 : memref<!tpu.dma_semaphore, #tpu.memory_space<semaphore_mem>>) src(%dma_wait3A_990 : memref<100000x128xf32, #tpu.memory_space<hbm>>) dst(%dma_wait3A_984 : memref<128x128xf32, #tpu.memory_space<vmem>>)
      %dma_wait3A_993 = arith.constant 2 : i32
      %dma_wait3A_994 = arith.constant 0 : i32
      %dma_wait3A_995 = arith.constant 1 : i32
      %dma_wait3A_996 = arith.constant 5 : i32
      %dma_wait3A_997 = arith.constant 128 : i32
      %dma_wait3A_998 = arith.constant 0 : i32
      %dma_wait3A_999 = tpu.memref_slice %arg11[%dma_wait3A_997, %dma_wait3A_998] : memref<256x128xf32, #tpu.memory_space<vmem>> -> memref<128x128xf32, #tpu.memory_space<vmem>>
      %dma_wait3A_1000 = arith.constant 0 : i32
      %dma_wait3A_1001 = tpu.memref_slice %arg8[%dma_wait3A_993, %dma_wait3A_994, %dma_wait3A_995, %dma_wait3A_1000] : memref<4x25x2x128xi32, #tpu.memory_space<vmem>> -> memref<1x1x1x128xi32, #tpu.memory_space<vmem>>
      %dma_wait3A_1002 = tpu.memref_squeeze %dma_wait3A_1001 : memref<1x1x1x128xi32, #tpu.memory_space<vmem>> -> memref<128xi32, #tpu.memory_space<vmem>>
      %dma_wait3A_1003 = arith.constant 0 : i32
      %dma_wait3A_1004 = arith.constant 0 : i32
      %dma_wait3A_1005 = tpu.memref_slice %arg5[%dma_wait3A_1003, %dma_wait3A_1004] : memref<100000x128xf32, #tpu.memory_space<hbm>> -> memref<100000x128xf32, #tpu.memory_space<hbm>>
      %dma_wait3A_1006 = tpu.memref_slice %arg12[%dma_wait3A_996] : memref<9x!tpu.dma_semaphore, #tpu.memory_space<semaphore_mem>> -> memref<1x!tpu.dma_semaphore, #tpu.memory_space<semaphore_mem>>
      %dma_wait3A_1007 = tpu.memref_squeeze %dma_wait3A_1006 : memref<1x!tpu.dma_semaphore, #tpu.memory_space<semaphore_mem>> -> memref<!tpu.dma_semaphore, #tpu.memory_space<semaphore_mem>>
      tpu.wait_indirect_dma semaphore(%dma_wait3A_1007 : memref<!tpu.dma_semaphore, #tpu.memory_space<semaphore_mem>>) src(%dma_wait3A_1005 : memref<100000x128xf32, #tpu.memory_space<hbm>>) dst(%dma_wait3A_999 : memref<128x128xf32, #tpu.memory_space<vmem>>)
      %dma_wait3A_1008 = arith.constant 3 : i32
      %dma_wait3A_1009 = arith.constant 0 : i32
      %dma_wait3A_1010 = arith.constant 0 : i32
      %dma_wait3A_1011 = arith.constant 5 : i32
      %dma_wait3A_1012 = arith.constant 0 : i32
      %dma_wait3A_1013 = arith.constant 0 : i32
      %dma_wait3A_1014 = tpu.memref_slice %arg11[%dma_wait3A_1012, %dma_wait3A_1013] : memref<256x128xf32, #tpu.memory_space<vmem>> -> memref<128x128xf32, #tpu.memory_space<vmem>>
      %dma_wait3A_1015 = arith.constant 0 : i32
      %dma_wait3A_1016 = tpu.memref_slice %arg8[%dma_wait3A_1008, %dma_wait3A_1009, %dma_wait3A_1010, %dma_wait3A_1015] : memref<4x25x2x128xi32, #tpu.memory_space<vmem>> -> memref<1x1x1x128xi32, #tpu.memory_space<vmem>>
      %dma_wait3A_1017 = tpu.memref_squeeze %dma_wait3A_1016 : memref<1x1x1x128xi32, #tpu.memory_space<vmem>> -> memref<128xi32, #tpu.memory_space<vmem>>
      %dma_wait3A_1018 = arith.constant 0 : i32
      %dma_wait3A_1019 = arith.constant 0 : i32
      %dma_wait3A_1020 = tpu.memref_slice %arg6[%dma_wait3A_1018, %dma_wait3A_1019] : memref<100000x128xf32, #tpu.memory_space<hbm>> -> memref<100000x128xf32, #tpu.memory_space<hbm>>
      %dma_wait3A_1021 = tpu.memref_slice %arg12[%dma_wait3A_1011] : memref<9x!tpu.dma_semaphore, #tpu.memory_space<semaphore_mem>> -> memref<1x!tpu.dma_semaphore, #tpu.memory_space<semaphore_mem>>
      %dma_wait3A_1022 = tpu.memref_squeeze %dma_wait3A_1021 : memref<1x!tpu.dma_semaphore, #tpu.memory_space<semaphore_mem>> -> memref<!tpu.dma_semaphore, #tpu.memory_space<semaphore_mem>>
      tpu.wait_indirect_dma semaphore(%dma_wait3A_1022 : memref<!tpu.dma_semaphore, #tpu.memory_space<semaphore_mem>>) src(%dma_wait3A_1020 : memref<100000x128xf32, #tpu.memory_space<hbm>>) dst(%dma_wait3A_1014 : memref<128x128xf32, #tpu.memory_space<vmem>>)
      %dma_wait3A_1023 = arith.constant 3 : i32
      %dma_wait3A_1024 = arith.constant 0 : i32
      %dma_wait3A_1025 = arith.constant 1 : i32
      %dma_wait3A_1026 = arith.constant 5 : i32
      %dma_wait3A_1027 = arith.constant 128 : i32
      %dma_wait3A_1028 = arith.constant 0 : i32
      %dma_wait3A_1029 = tpu.memref_slice %arg11[%dma_wait3A_1027, %dma_wait3A_1028] : memref<256x128xf32, #tpu.memory_space<vmem>> -> memref<128x128xf32, #tpu.memory_space<vmem>>
      %dma_wait3A_1030 = arith.constant 0 : i32
      %dma_wait3A_1031 = tpu.memref_slice %arg8[%dma_wait3A_1023, %dma_wait3A_1024, %dma_wait3A_1025, %dma_wait3A_1030] : memref<4x25x2x128xi32, #tpu.memory_space<vmem>> -> memref<1x1x1x128xi32, #tpu.memory_space<vmem>>
      %dma_wait3A_1032 = tpu.memref_squeeze %dma_wait3A_1031 : memref<1x1x1x128xi32, #tpu.memory_space<vmem>> -> memref<128xi32, #tpu.memory_space<vmem>>
      %dma_wait3A_1033 = arith.constant 0 : i32
      %dma_wait3A_1034 = arith.constant 0 : i32
      %dma_wait3A_1035 = tpu.memref_slice %arg6[%dma_wait3A_1033, %dma_wait3A_1034] : memref<100000x128xf32, #tpu.memory_space<hbm>> -> memref<100000x128xf32, #tpu.memory_space<hbm>>
      %dma_wait3A_1036 = tpu.memref_slice %arg12[%dma_wait3A_1026] : memref<9x!tpu.dma_semaphore, #tpu.memory_space<semaphore_mem>> -> memref<1x!tpu.dma_semaphore, #tpu.memory_space<semaphore_mem>>
      %dma_wait3A_1037 = tpu.memref_squeeze %dma_wait3A_1036 : memref<1x!tpu.dma_semaphore, #tpu.memory_space<semaphore_mem>> -> memref<!tpu.dma_semaphore, #tpu.memory_space<semaphore_mem>>
      tpu.wait_indirect_dma semaphore(%dma_wait3A_1037 : memref<!tpu.dma_semaphore, #tpu.memory_space<semaphore_mem>>) src(%dma_wait3A_1035 : memref<100000x128xf32, #tpu.memory_space<hbm>>) dst(%dma_wait3A_1029 : memref<128x128xf32, #tpu.memory_space<vmem>>)
      %add3A_1038 = arith.constant 2 : i32
      %add3A_1039 = arith.addi %mul3A_293, %add3A_1038 : i32
      %add3A_1040 = arith.addi %mul3A_2, %add3A_1039 : i32
      %mul3A_1041 = arith.constant 256 : i32
      %mul3A_1042 = arith.muli %add3A_1040, %mul3A_1041 : i32
      %dma_start3A_1043 = arith.constant 8 : i32
      %dma_start3A_1044 = arith.constant 0 : i32
      %dma_start3A_1045 = tpu.memref_slice %arg7[%mul3A_1042, %dma_start3A_1044] : memref<204800x128xf32, #tpu.memory_space<hbm>> -> memref<256x128xf32, #tpu.memory_space<hbm>>
      %dma_start3A_1046 = tpu.memref_slice %arg12[%dma_start3A_1043] : memref<9x!tpu.dma_semaphore, #tpu.memory_space<semaphore_mem>> -> memref<1x!tpu.dma_semaphore, #tpu.memory_space<semaphore_mem>>
      %dma_start3A_1047 = tpu.memref_squeeze %dma_start3A_1046 : memref<1x!tpu.dma_semaphore, #tpu.memory_space<semaphore_mem>> -> memref<!tpu.dma_semaphore, #tpu.memory_space<semaphore_mem>>
      %dma_start3A_1048 = arith.constant 0 : i32
      %dma_start3A_1049 = tpu.memref_slice %arg7[%mul3A_1042, %dma_start3A_1048] : memref<204800x128xf32, #tpu.memory_space<hbm>> -> memref<256x128xf32, #tpu.memory_space<hbm>>
      tpu.enqueue_dma source(%arg11 : memref<256x128xf32, #tpu.memory_space<vmem>>) target(%dma_start3A_1049 : memref<256x128xf32, #tpu.memory_space<hbm>>) target_semaphore(%dma_start3A_1047 : memref<!tpu.dma_semaphore, #tpu.memory_space<semaphore_mem>>)
    }
    %scan3A_43 = arith.constant 8 : i32
    %dma_wait3A = arith.constant 0 : i32
    %dma_wait3A_44 = arith.constant 0 : i32
    %dma_wait3A_45 = arith.constant 0 : i32
    %dma_wait3A_46 = arith.constant 0 : i32
    %dma_wait3A_47 = arith.constant 0 : i32
    %dma_wait3A_48 = arith.constant 0 : i32
    %dma_wait3A_49 = tpu.memref_slice %arg9[%dma_wait3A_47, %dma_wait3A_48] : memref<256x128xf32, #tpu.memory_space<vmem>> -> memref<128x128xf32, #tpu.memory_space<vmem>>
    %dma_wait3A_50 = arith.constant 0 : i32
    %dma_wait3A_51 = tpu.memref_slice %arg8[%dma_wait3A, %dma_wait3A_44, %dma_wait3A_45, %dma_wait3A_50] : memref<4x25x2x128xi32, #tpu.memory_space<vmem>> -> memref<1x1x1x128xi32, #tpu.memory_space<vmem>>
    %dma_wait3A_52 = tpu.memref_squeeze %dma_wait3A_51 : memref<1x1x1x128xi32, #tpu.memory_space<vmem>> -> memref<128xi32, #tpu.memory_space<vmem>>
    %dma_wait3A_53 = arith.constant 0 : i32
    %dma_wait3A_54 = arith.constant 0 : i32
    %dma_wait3A_55 = tpu.memref_slice %arg3[%dma_wait3A_53, %dma_wait3A_54] : memref<100000x128xf32, #tpu.memory_space<hbm>> -> memref<100000x128xf32, #tpu.memory_space<hbm>>
    %dma_wait3A_56 = tpu.memref_slice %arg12[%dma_wait3A_46] : memref<9x!tpu.dma_semaphore, #tpu.memory_space<semaphore_mem>> -> memref<1x!tpu.dma_semaphore, #tpu.memory_space<semaphore_mem>>
    %dma_wait3A_57 = tpu.memref_squeeze %dma_wait3A_56 : memref<1x!tpu.dma_semaphore, #tpu.memory_space<semaphore_mem>> -> memref<!tpu.dma_semaphore, #tpu.memory_space<semaphore_mem>>
    tpu.wait_indirect_dma semaphore(%dma_wait3A_57 : memref<!tpu.dma_semaphore, #tpu.memory_space<semaphore_mem>>) src(%dma_wait3A_55 : memref<100000x128xf32, #tpu.memory_space<hbm>>) dst(%dma_wait3A_49 : memref<128x128xf32, #tpu.memory_space<vmem>>)
    %dma_wait3A_58 = arith.constant 0 : i32
    %dma_wait3A_59 = arith.constant 0 : i32
    %dma_wait3A_60 = arith.constant 1 : i32
    %dma_wait3A_61 = arith.constant 0 : i32
    %dma_wait3A_62 = arith.constant 128 : i32
    %dma_wait3A_63 = arith.constant 0 : i32
    %dma_wait3A_64 = tpu.memref_slice %arg9[%dma_wait3A_62, %dma_wait3A_63] : memref<256x128xf32, #tpu.memory_space<vmem>> -> memref<128x128xf32, #tpu.memory_space<vmem>>
    %dma_wait3A_65 = arith.constant 0 : i32
    %dma_wait3A_66 = tpu.memref_slice %arg8[%dma_wait3A_58, %dma_wait3A_59, %dma_wait3A_60, %dma_wait3A_65] : memref<4x25x2x128xi32, #tpu.memory_space<vmem>> -> memref<1x1x1x128xi32, #tpu.memory_space<vmem>>
    %dma_wait3A_67 = tpu.memref_squeeze %dma_wait3A_66 : memref<1x1x1x128xi32, #tpu.memory_space<vmem>> -> memref<128xi32, #tpu.memory_space<vmem>>
    %dma_wait3A_68 = arith.constant 0 : i32
    %dma_wait3A_69 = arith.constant 0 : i32
    %dma_wait3A_70 = tpu.memref_slice %arg3[%dma_wait3A_68, %dma_wait3A_69] : memref<100000x128xf32, #tpu.memory_space<hbm>> -> memref<100000x128xf32, #tpu.memory_space<hbm>>
    %dma_wait3A_71 = tpu.memref_slice %arg12[%dma_wait3A_61] : memref<9x!tpu.dma_semaphore, #tpu.memory_space<semaphore_mem>> -> memref<1x!tpu.dma_semaphore, #tpu.memory_space<semaphore_mem>>
    %dma_wait3A_72 = tpu.memref_squeeze %dma_wait3A_71 : memref<1x!tpu.dma_semaphore, #tpu.memory_space<semaphore_mem>> -> memref<!tpu.dma_semaphore, #tpu.memory_space<semaphore_mem>>
    tpu.wait_indirect_dma semaphore(%dma_wait3A_72 : memref<!tpu.dma_semaphore, #tpu.memory_space<semaphore_mem>>) src(%dma_wait3A_70 : memref<100000x128xf32, #tpu.memory_space<hbm>>) dst(%dma_wait3A_64 : memref<128x128xf32, #tpu.memory_space<vmem>>)
    %dma_start3A_73 = arith.constant 1 : i32
    %dma_start3A_74 = arith.constant 24 : i32
    %dma_start3A_75 = arith.constant 0 : i32
    %dma_start3A_76 = arith.constant 3 : i32
    %dma_start3A_77 = arith.constant 0 : i32
    %dma_start3A_78 = arith.constant 0 : i32
    %dma_start3A_79 = tpu.memref_slice %arg9[%dma_start3A_77, %dma_start3A_78] : memref<256x128xf32, #tpu.memory_space<vmem>> -> memref<128x128xf32, #tpu.memory_space<vmem>>
    %dma_start3A_80 = arith.constant 0 : i32
    %dma_start3A_81 = tpu.memref_slice %arg8[%dma_start3A_73, %dma_start3A_74, %dma_start3A_75, %dma_start3A_80] : memref<4x25x2x128xi32, #tpu.memory_space<vmem>> -> memref<1x1x1x128xi32, #tpu.memory_space<vmem>>
    %dma_start3A_82 = tpu.memref_squeeze %dma_start3A_81 : memref<1x1x1x128xi32, #tpu.memory_space<vmem>> -> memref<128xi32, #tpu.memory_space<vmem>>
    %dma_start3A_83 = arith.constant 0 : i32
    %dma_start3A_84 = arith.constant 0 : i32
    %dma_start3A_85 = tpu.memref_slice %arg4[%dma_start3A_83, %dma_start3A_84] : memref<100000x128xf32, #tpu.memory_space<hbm>> -> memref<100000x128xf32, #tpu.memory_space<hbm>>
    %dma_start3A_86 = tpu.memref_slice %arg12[%dma_start3A_76] : memref<9x!tpu.dma_semaphore, #tpu.memory_space<semaphore_mem>> -> memref<1x!tpu.dma_semaphore, #tpu.memory_space<semaphore_mem>>
    %dma_start3A_87 = tpu.memref_squeeze %dma_start3A_86 : memref<1x!tpu.dma_semaphore, #tpu.memory_space<semaphore_mem>> -> memref<!tpu.dma_semaphore, #tpu.memory_space<semaphore_mem>>
    tpu.enqueue_indirect_dma source(%dma_start3A_85 : memref<100000x128xf32, #tpu.memory_space<hbm>>) target(%dma_start3A_79 : memref<128x128xf32, #tpu.memory_space<vmem>>) offsets(%dma_start3A_82 : memref<128xi32, #tpu.memory_space<vmem>>) semaphore(%dma_start3A_87 : memref<!tpu.dma_semaphore, #tpu.memory_space<semaphore_mem>>) {add = true}
    %dma_start3A_88 = arith.constant 1 : i32
    %dma_start3A_89 = arith.constant 24 : i32
    %dma_start3A_90 = arith.constant 1 : i32
    %dma_start3A_91 = arith.constant 3 : i32
    %dma_start3A_92 = arith.constant 128 : i32
    %dma_start3A_93 = arith.constant 0 : i32
    %dma_start3A_94 = tpu.memref_slice %arg9[%dma_start3A_92, %dma_start3A_93] : memref<256x128xf32, #tpu.memory_space<vmem>> -> memref<128x128xf32, #tpu.memory_space<vmem>>
    %dma_start3A_95 = arith.constant 0 : i32
    %dma_start3A_96 = tpu.memref_slice %arg8[%dma_start3A_88, %dma_start3A_89, %dma_start3A_90, %dma_start3A_95] : memref<4x25x2x128xi32, #tpu.memory_space<vmem>> -> memref<1x1x1x128xi32, #tpu.memory_space<vmem>>
    %dma_start3A_97 = tpu.memref_squeeze %dma_start3A_96 : memref<1x1x1x128xi32, #tpu.memory_space<vmem>> -> memref<128xi32, #tpu.memory_space<vmem>>
    %dma_start3A_98 = arith.constant 0 : i32
    %dma_start3A_99 = arith.constant 0 : i32
    %dma_start3A_100 = tpu.memref_slice %arg4[%dma_start3A_98, %dma_start3A_99] : memref<100000x128xf32, #tpu.memory_space<hbm>> -> memref<100000x128xf32, #tpu.memory_space<hbm>>
    %dma_start3A_101 = tpu.memref_slice %arg12[%dma_start3A_91] : memref<9x!tpu.dma_semaphore, #tpu.memory_space<semaphore_mem>> -> memref<1x!tpu.dma_semaphore, #tpu.memory_space<semaphore_mem>>
    %dma_start3A_102 = tpu.memref_squeeze %dma_start3A_101 : memref<1x!tpu.dma_semaphore, #tpu.memory_space<semaphore_mem>> -> memref<!tpu.dma_semaphore, #tpu.memory_space<semaphore_mem>>
    tpu.enqueue_indirect_dma source(%dma_start3A_100 : memref<100000x128xf32, #tpu.memory_space<hbm>>) target(%dma_start3A_94 : memref<128x128xf32, #tpu.memory_space<vmem>>) offsets(%dma_start3A_97 : memref<128xi32, #tpu.memory_space<vmem>>) semaphore(%dma_start3A_102 : memref<!tpu.dma_semaphore, #tpu.memory_space<semaphore_mem>>) {add = true}
    %dma_start3A_103 = arith.constant 2 : i32
    %dma_start3A_104 = arith.constant 24 : i32
    %dma_start3A_105 = arith.constant 0 : i32
    %dma_start3A_106 = arith.constant 3 : i32
    %dma_start3A_107 = arith.constant 0 : i32
    %dma_start3A_108 = arith.constant 0 : i32
    %dma_start3A_109 = tpu.memref_slice %arg9[%dma_start3A_107, %dma_start3A_108] : memref<256x128xf32, #tpu.memory_space<vmem>> -> memref<128x128xf32, #tpu.memory_space<vmem>>
    %dma_start3A_110 = arith.constant 0 : i32
    %dma_start3A_111 = tpu.memref_slice %arg8[%dma_start3A_103, %dma_start3A_104, %dma_start3A_105, %dma_start3A_110] : memref<4x25x2x128xi32, #tpu.memory_space<vmem>> -> memref<1x1x1x128xi32, #tpu.memory_space<vmem>>
    %dma_start3A_112 = tpu.memref_squeeze %dma_start3A_111 : memref<1x1x1x128xi32, #tpu.memory_space<vmem>> -> memref<128xi32, #tpu.memory_space<vmem>>
    %dma_start3A_113 = arith.constant 0 : i32
    %dma_start3A_114 = arith.constant 0 : i32
    %dma_start3A_115 = tpu.memref_slice %arg5[%dma_start3A_113, %dma_start3A_114] : memref<100000x128xf32, #tpu.memory_space<hbm>> -> memref<100000x128xf32, #tpu.memory_space<hbm>>
    %dma_start3A_116 = tpu.memref_slice %arg12[%dma_start3A_106] : memref<9x!tpu.dma_semaphore, #tpu.memory_space<semaphore_mem>> -> memref<1x!tpu.dma_semaphore, #tpu.memory_space<semaphore_mem>>
    %dma_start3A_117 = tpu.memref_squeeze %dma_start3A_116 : memref<1x!tpu.dma_semaphore, #tpu.memory_space<semaphore_mem>> -> memref<!tpu.dma_semaphore, #tpu.memory_space<semaphore_mem>>
    tpu.enqueue_indirect_dma source(%dma_start3A_115 : memref<100000x128xf32, #tpu.memory_space<hbm>>) target(%dma_start3A_109 : memref<128x128xf32, #tpu.memory_space<vmem>>) offsets(%dma_start3A_112 : memref<128xi32, #tpu.memory_space<vmem>>) semaphore(%dma_start3A_117 : memref<!tpu.dma_semaphore, #tpu.memory_space<semaphore_mem>>) {add = true}
    %dma_start3A_118 = arith.constant 2 : i32
    %dma_start3A_119 = arith.constant 24 : i32
    %dma_start3A_120 = arith.constant 1 : i32
    %dma_start3A_121 = arith.constant 3 : i32
    %dma_start3A_122 = arith.constant 128 : i32
    %dma_start3A_123 = arith.constant 0 : i32
    %dma_start3A_124 = tpu.memref_slice %arg9[%dma_start3A_122, %dma_start3A_123] : memref<256x128xf32, #tpu.memory_space<vmem>> -> memref<128x128xf32, #tpu.memory_space<vmem>>
    %dma_start3A_125 = arith.constant 0 : i32
    %dma_start3A_126 = tpu.memref_slice %arg8[%dma_start3A_118, %dma_start3A_119, %dma_start3A_120, %dma_start3A_125] : memref<4x25x2x128xi32, #tpu.memory_space<vmem>> -> memref<1x1x1x128xi32, #tpu.memory_space<vmem>>
    %dma_start3A_127 = tpu.memref_squeeze %dma_start3A_126 : memref<1x1x1x128xi32, #tpu.memory_space<vmem>> -> memref<128xi32, #tpu.memory_space<vmem>>
    %dma_start3A_128 = arith.constant 0 : i32
    %dma_start3A_129 = arith.constant 0 : i32
    %dma_start3A_130 = tpu.memref_slice %arg5[%dma_start3A_128, %dma_start3A_129] : memref<100000x128xf32, #tpu.memory_space<hbm>> -> memref<100000x128xf32, #tpu.memory_space<hbm>>
    %dma_start3A_131 = tpu.memref_slice %arg12[%dma_start3A_121] : memref<9x!tpu.dma_semaphore, #tpu.memory_space<semaphore_mem>> -> memref<1x!tpu.dma_semaphore, #tpu.memory_space<semaphore_mem>>
    %dma_start3A_132 = tpu.memref_squeeze %dma_start3A_131 : memref<1x!tpu.dma_semaphore, #tpu.memory_space<semaphore_mem>> -> memref<!tpu.dma_semaphore, #tpu.memory_space<semaphore_mem>>
    tpu.enqueue_indirect_dma source(%dma_start3A_130 : memref<100000x128xf32, #tpu.memory_space<hbm>>) target(%dma_start3A_124 : memref<128x128xf32, #tpu.memory_space<vmem>>) offsets(%dma_start3A_127 : memref<128xi32, #tpu.memory_space<vmem>>) semaphore(%dma_start3A_132 : memref<!tpu.dma_semaphore, #tpu.memory_space<semaphore_mem>>) {add = true}
    %dma_start3A_133 = arith.constant 3 : i32
    %dma_start3A_134 = arith.constant 24 : i32
    %dma_start3A_135 = arith.constant 0 : i32
    %dma_start3A_136 = arith.constant 3 : i32
    %dma_start3A_137 = arith.constant 0 : i32
    %dma_start3A_138 = arith.constant 0 : i32
    %dma_start3A_139 = tpu.memref_slice %arg9[%dma_start3A_137, %dma_start3A_138] : memref<256x128xf32, #tpu.memory_space<vmem>> -> memref<128x128xf32, #tpu.memory_space<vmem>>
    %dma_start3A_140 = arith.constant 0 : i32
    %dma_start3A_141 = tpu.memref_slice %arg8[%dma_start3A_133, %dma_start3A_134, %dma_start3A_135, %dma_start3A_140] : memref<4x25x2x128xi32, #tpu.memory_space<vmem>> -> memref<1x1x1x128xi32, #tpu.memory_space<vmem>>
    %dma_start3A_142 = tpu.memref_squeeze %dma_start3A_141 : memref<1x1x1x128xi32, #tpu.memory_space<vmem>> -> memref<128xi32, #tpu.memory_space<vmem>>
    %dma_start3A_143 = arith.constant 0 : i32
    %dma_start3A_144 = arith.constant 0 : i32
    %dma_start3A_145 = tpu.memref_slice %arg6[%dma_start3A_143, %dma_start3A_144] : memref<100000x128xf32, #tpu.memory_space<hbm>> -> memref<100000x128xf32, #tpu.memory_space<hbm>>
    %dma_start3A_146 = tpu.memref_slice %arg12[%dma_start3A_136] : memref<9x!tpu.dma_semaphore, #tpu.memory_space<semaphore_mem>> -> memref<1x!tpu.dma_semaphore, #tpu.memory_space<semaphore_mem>>
    %dma_start3A_147 = tpu.memref_squeeze %dma_start3A_146 : memref<1x!tpu.dma_semaphore, #tpu.memory_space<semaphore_mem>> -> memref<!tpu.dma_semaphore, #tpu.memory_space<semaphore_mem>>
    tpu.enqueue_indirect_dma source(%dma_start3A_145 : memref<100000x128xf32, #tpu.memory_space<hbm>>) target(%dma_start3A_139 : memref<128x128xf32, #tpu.memory_space<vmem>>) offsets(%dma_start3A_142 : memref<128xi32, #tpu.memory_space<vmem>>) semaphore(%dma_start3A_147 : memref<!tpu.dma_semaphore, #tpu.memory_space<semaphore_mem>>) {add = true}
    %dma_start3A_148 = arith.constant 3 : i32
    %dma_start3A_149 = arith.constant 24 : i32
    %dma_start3A_150 = arith.constant 1 : i32
    %dma_start3A_151 = arith.constant 3 : i32
    %dma_start3A_152 = arith.constant 128 : i32
    %dma_start3A_153 = arith.constant 0 : i32
    %dma_start3A_154 = tpu.memref_slice %arg9[%dma_start3A_152, %dma_start3A_153] : memref<256x128xf32, #tpu.memory_space<vmem>> -> memref<128x128xf32, #tpu.memory_space<vmem>>
    %dma_start3A_155 = arith.constant 0 : i32
    %dma_start3A_156 = tpu.memref_slice %arg8[%dma_start3A_148, %dma_start3A_149, %dma_start3A_150, %dma_start3A_155] : memref<4x25x2x128xi32, #tpu.memory_space<vmem>> -> memref<1x1x1x128xi32, #tpu.memory_space<vmem>>
    %dma_start3A_157 = tpu.memref_squeeze %dma_start3A_156 : memref<1x1x1x128xi32, #tpu.memory_space<vmem>> -> memref<128xi32, #tpu.memory_space<vmem>>
    %dma_start3A_158 = arith.constant 0 : i32
    %dma_start3A_159 = arith.constant 0 : i32
    %dma_start3A_160 = tpu.memref_slice %arg6[%dma_start3A_158, %dma_start3A_159] : memref<100000x128xf32, #tpu.memory_space<hbm>> -> memref<100000x128xf32, #tpu.memory_space<hbm>>
    %dma_start3A_161 = tpu.memref_slice %arg12[%dma_start3A_151] : memref<9x!tpu.dma_semaphore, #tpu.memory_space<semaphore_mem>> -> memref<1x!tpu.dma_semaphore, #tpu.memory_space<semaphore_mem>>
    %dma_start3A_162 = tpu.memref_squeeze %dma_start3A_161 : memref<1x!tpu.dma_semaphore, #tpu.memory_space<semaphore_mem>> -> memref<!tpu.dma_semaphore, #tpu.memory_space<semaphore_mem>>
    tpu.enqueue_indirect_dma source(%dma_start3A_160 : memref<100000x128xf32, #tpu.memory_space<hbm>>) target(%dma_start3A_154 : memref<128x128xf32, #tpu.memory_space<vmem>>) offsets(%dma_start3A_157 : memref<128xi32, #tpu.memory_space<vmem>>) semaphore(%dma_start3A_162 : memref<!tpu.dma_semaphore, #tpu.memory_space<semaphore_mem>>) {add = true}
    %dma_wait3A_163 = arith.constant 7 : i32
    %dma_wait3A_164 = arith.constant 0 : i32
    %dma_wait3A_165 = arith.constant 0 : i32
    %dma_wait3A_166 = tpu.memref_slice %arg7[%dma_wait3A_164, %dma_wait3A_165] : memref<204800x128xf32, #tpu.memory_space<hbm>> -> memref<256x128xf32, #tpu.memory_space<hbm>>
    %dma_wait3A_167 = tpu.memref_slice %arg12[%dma_wait3A_163] : memref<9x!tpu.dma_semaphore, #tpu.memory_space<semaphore_mem>> -> memref<1x!tpu.dma_semaphore, #tpu.memory_space<semaphore_mem>>
    %dma_wait3A_168 = tpu.memref_squeeze %dma_wait3A_167 : memref<1x!tpu.dma_semaphore, #tpu.memory_space<semaphore_mem>> -> memref<!tpu.dma_semaphore, #tpu.memory_space<semaphore_mem>>
    %dma_wait3A_169 = arith.constant 0 : i32
    %dma_wait3A_170 = arith.constant 0 : i32
    %dma_wait3A_171 = tpu.memref_slice %arg7[%dma_wait3A_169, %dma_wait3A_170] : memref<204800x128xf32, #tpu.memory_space<hbm>> -> memref<256x128xf32, #tpu.memory_space<hbm>>
    tpu.wait_dma2 semaphore(%dma_wait3A_168 : memref<!tpu.dma_semaphore, #tpu.memory_space<semaphore_mem>>) src(%arg10 : memref<256x128xf32, #tpu.memory_space<vmem>>) dst(%dma_wait3A_171 : memref<256x128xf32, #tpu.memory_space<hbm>>)
    %dma_wait3A_172 = arith.constant 8 : i32
    %dma_wait3A_173 = arith.constant 0 : i32
    %dma_wait3A_174 = arith.constant 0 : i32
    %dma_wait3A_175 = tpu.memref_slice %arg7[%dma_wait3A_173, %dma_wait3A_174] : memref<204800x128xf32, #tpu.memory_space<hbm>> -> memref<256x128xf32, #tpu.memory_space<hbm>>
    %dma_wait3A_176 = tpu.memref_slice %arg12[%dma_wait3A_172] : memref<9x!tpu.dma_semaphore, #tpu.memory_space<semaphore_mem>> -> memref<1x!tpu.dma_semaphore, #tpu.memory_space<semaphore_mem>>
    %dma_wait3A_177 = tpu.memref_squeeze %dma_wait3A_176 : memref<1x!tpu.dma_semaphore, #tpu.memory_space<semaphore_mem>> -> memref<!tpu.dma_semaphore, #tpu.memory_space<semaphore_mem>>
    %dma_wait3A_178 = arith.constant 0 : i32
    %dma_wait3A_179 = arith.constant 0 : i32
    %dma_wait3A_180 = tpu.memref_slice %arg7[%dma_wait3A_178, %dma_wait3A_179] : memref<204800x128xf32, #tpu.memory_space<hbm>> -> memref<256x128xf32, #tpu.memory_space<hbm>>
    tpu.wait_dma2 semaphore(%dma_wait3A_177 : memref<!tpu.dma_semaphore, #tpu.memory_space<semaphore_mem>>) src(%arg11 : memref<256x128xf32, #tpu.memory_space<vmem>>) dst(%dma_wait3A_180 : memref<256x128xf32, #tpu.memory_space<hbm>>)
    %dma_wait3A_181 = arith.constant 1 : i32
    %dma_wait3A_182 = arith.constant 0 : i32
    %dma_wait3A_183 = arith.constant 0 : i32
    %dma_wait3A_184 = arith.constant 3 : i32
    %dma_wait3A_185 = arith.constant 0 : i32
    %dma_wait3A_186 = arith.constant 0 : i32
    %dma_wait3A_187 = tpu.memref_slice %arg9[%dma_wait3A_185, %dma_wait3A_186] : memref<256x128xf32, #tpu.memory_space<vmem>> -> memref<128x128xf32, #tpu.memory_space<vmem>>
    %dma_wait3A_188 = arith.constant 0 : i32
    %dma_wait3A_189 = tpu.memref_slice %arg8[%dma_wait3A_181, %dma_wait3A_182, %dma_wait3A_183, %dma_wait3A_188] : memref<4x25x2x128xi32, #tpu.memory_space<vmem>> -> memref<1x1x1x128xi32, #tpu.memory_space<vmem>>
    %dma_wait3A_190 = tpu.memref_squeeze %dma_wait3A_189 : memref<1x1x1x128xi32, #tpu.memory_space<vmem>> -> memref<128xi32, #tpu.memory_space<vmem>>
    %dma_wait3A_191 = arith.constant 0 : i32
    %dma_wait3A_192 = arith.constant 0 : i32
    %dma_wait3A_193 = tpu.memref_slice %arg4[%dma_wait3A_191, %dma_wait3A_192] : memref<100000x128xf32, #tpu.memory_space<hbm>> -> memref<100000x128xf32, #tpu.memory_space<hbm>>
    %dma_wait3A_194 = tpu.memref_slice %arg12[%dma_wait3A_184] : memref<9x!tpu.dma_semaphore, #tpu.memory_space<semaphore_mem>> -> memref<1x!tpu.dma_semaphore, #tpu.memory_space<semaphore_mem>>
    %dma_wait3A_195 = tpu.memref_squeeze %dma_wait3A_194 : memref<1x!tpu.dma_semaphore, #tpu.memory_space<semaphore_mem>> -> memref<!tpu.dma_semaphore, #tpu.memory_space<semaphore_mem>>
    tpu.wait_indirect_dma semaphore(%dma_wait3A_195 : memref<!tpu.dma_semaphore, #tpu.memory_space<semaphore_mem>>) src(%dma_wait3A_193 : memref<100000x128xf32, #tpu.memory_space<hbm>>) dst(%dma_wait3A_187 : memref<128x128xf32, #tpu.memory_space<vmem>>)
    %dma_wait3A_196 = arith.constant 1 : i32
    %dma_wait3A_197 = arith.constant 0 : i32
    %dma_wait3A_198 = arith.constant 1 : i32
    %dma_wait3A_199 = arith.constant 3 : i32
    %dma_wait3A_200 = arith.constant 128 : i32
    %dma_wait3A_201 = arith.constant 0 : i32
    %dma_wait3A_202 = tpu.memref_slice %arg9[%dma_wait3A_200, %dma_wait3A_201] : memref<256x128xf32, #tpu.memory_space<vmem>> -> memref<128x128xf32, #tpu.memory_space<vmem>>
    %dma_wait3A_203 = arith.constant 0 : i32
    %dma_wait3A_204 = tpu.memref_slice %arg8[%dma_wait3A_196, %dma_wait3A_197, %dma_wait3A_198, %dma_wait3A_203] : memref<4x25x2x128xi32, #tpu.memory_space<vmem>> -> memref<1x1x1x128xi32, #tpu.memory_space<vmem>>
    %dma_wait3A_205 = tpu.memref_squeeze %dma_wait3A_204 : memref<1x1x1x128xi32, #tpu.memory_space<vmem>> -> memref<128xi32, #tpu.memory_space<vmem>>
    %dma_wait3A_206 = arith.constant 0 : i32
    %dma_wait3A_207 = arith.constant 0 : i32
    %dma_wait3A_208 = tpu.memref_slice %arg4[%dma_wait3A_206, %dma_wait3A_207] : memref<100000x128xf32, #tpu.memory_space<hbm>> -> memref<100000x128xf32, #tpu.memory_space<hbm>>
    %dma_wait3A_209 = tpu.memref_slice %arg12[%dma_wait3A_199] : memref<9x!tpu.dma_semaphore, #tpu.memory_space<semaphore_mem>> -> memref<1x!tpu.dma_semaphore, #tpu.memory_space<semaphore_mem>>
    %dma_wait3A_210 = tpu.memref_squeeze %dma_wait3A_209 : memref<1x!tpu.dma_semaphore, #tpu.memory_space<semaphore_mem>> -> memref<!tpu.dma_semaphore, #tpu.memory_space<semaphore_mem>>
    tpu.wait_indirect_dma semaphore(%dma_wait3A_210 : memref<!tpu.dma_semaphore, #tpu.memory_space<semaphore_mem>>) src(%dma_wait3A_208 : memref<100000x128xf32, #tpu.memory_space<hbm>>) dst(%dma_wait3A_202 : memref<128x128xf32, #tpu.memory_space<vmem>>)
    %dma_wait3A_211 = arith.constant 2 : i32
    %dma_wait3A_212 = arith.constant 0 : i32
    %dma_wait3A_213 = arith.constant 0 : i32
    %dma_wait3A_214 = arith.constant 3 : i32
    %dma_wait3A_215 = arith.constant 0 : i32
    %dma_wait3A_216 = arith.constant 0 : i32
    %dma_wait3A_217 = tpu.memref_slice %arg9[%dma_wait3A_215, %dma_wait3A_216] : memref<256x128xf32, #tpu.memory_space<vmem>> -> memref<128x128xf32, #tpu.memory_space<vmem>>
    %dma_wait3A_218 = arith.constant 0 : i32
    %dma_wait3A_219 = tpu.memref_slice %arg8[%dma_wait3A_211, %dma_wait3A_212, %dma_wait3A_213, %dma_wait3A_218] : memref<4x25x2x128xi32, #tpu.memory_space<vmem>> -> memref<1x1x1x128xi32, #tpu.memory_space<vmem>>
    %dma_wait3A_220 = tpu.memref_squeeze %dma_wait3A_219 : memref<1x1x1x128xi32, #tpu.memory_space<vmem>> -> memref<128xi32, #tpu.memory_space<vmem>>
    %dma_wait3A_221 = arith.constant 0 : i32
    %dma_wait3A_222 = arith.constant 0 : i32
    %dma_wait3A_223 = tpu.memref_slice %arg5[%dma_wait3A_221, %dma_wait3A_222] : memref<100000x128xf32, #tpu.memory_space<hbm>> -> memref<100000x128xf32, #tpu.memory_space<hbm>>
    %dma_wait3A_224 = tpu.memref_slice %arg12[%dma_wait3A_214] : memref<9x!tpu.dma_semaphore, #tpu.memory_space<semaphore_mem>> -> memref<1x!tpu.dma_semaphore, #tpu.memory_space<semaphore_mem>>
    %dma_wait3A_225 = tpu.memref_squeeze %dma_wait3A_224 : memref<1x!tpu.dma_semaphore, #tpu.memory_space<semaphore_mem>> -> memref<!tpu.dma_semaphore, #tpu.memory_space<semaphore_mem>>
    tpu.wait_indirect_dma semaphore(%dma_wait3A_225 : memref<!tpu.dma_semaphore, #tpu.memory_space<semaphore_mem>>) src(%dma_wait3A_223 : memref<100000x128xf32, #tpu.memory_space<hbm>>) dst(%dma_wait3A_217 : memref<128x128xf32, #tpu.memory_space<vmem>>)
    %dma_wait3A_226 = arith.constant 2 : i32
    %dma_wait3A_227 = arith.constant 0 : i32
    %dma_wait3A_228 = arith.constant 1 : i32
    %dma_wait3A_229 = arith.constant 3 : i32
    %dma_wait3A_230 = arith.constant 128 : i32
    %dma_wait3A_231 = arith.constant 0 : i32
    %dma_wait3A_232 = tpu.memref_slice %arg9[%dma_wait3A_230, %dma_wait3A_231] : memref<256x128xf32, #tpu.memory_space<vmem>> -> memref<128x128xf32, #tpu.memory_space<vmem>>
    %dma_wait3A_233 = arith.constant 0 : i32
    %dma_wait3A_234 = tpu.memref_slice %arg8[%dma_wait3A_226, %dma_wait3A_227, %dma_wait3A_228, %dma_wait3A_233] : memref<4x25x2x128xi32, #tpu.memory_space<vmem>> -> memref<1x1x1x128xi32, #tpu.memory_space<vmem>>
    %dma_wait3A_235 = tpu.memref_squeeze %dma_wait3A_234 : memref<1x1x1x128xi32, #tpu.memory_space<vmem>> -> memref<128xi32, #tpu.memory_space<vmem>>
    %dma_wait3A_236 = arith.constant 0 : i32
    %dma_wait3A_237 = arith.constant 0 : i32
    %dma_wait3A_238 = tpu.memref_slice %arg5[%dma_wait3A_236, %dma_wait3A_237] : memref<100000x128xf32, #tpu.memory_space<hbm>> -> memref<100000x128xf32, #tpu.memory_space<hbm>>
    %dma_wait3A_239 = tpu.memref_slice %arg12[%dma_wait3A_229] : memref<9x!tpu.dma_semaphore, #tpu.memory_space<semaphore_mem>> -> memref<1x!tpu.dma_semaphore, #tpu.memory_space<semaphore_mem>>
    %dma_wait3A_240 = tpu.memref_squeeze %dma_wait3A_239 : memref<1x!tpu.dma_semaphore, #tpu.memory_space<semaphore_mem>> -> memref<!tpu.dma_semaphore, #tpu.memory_space<semaphore_mem>>
    tpu.wait_indirect_dma semaphore(%dma_wait3A_240 : memref<!tpu.dma_semaphore, #tpu.memory_space<semaphore_mem>>) src(%dma_wait3A_238 : memref<100000x128xf32, #tpu.memory_space<hbm>>) dst(%dma_wait3A_232 : memref<128x128xf32, #tpu.memory_space<vmem>>)
    %dma_wait3A_241 = arith.constant 3 : i32
    %dma_wait3A_242 = arith.constant 0 : i32
    %dma_wait3A_243 = arith.constant 0 : i32
    %dma_wait3A_244 = arith.constant 3 : i32
    %dma_wait3A_245 = arith.constant 0 : i32
    %dma_wait3A_246 = arith.constant 0 : i32
    %dma_wait3A_247 = tpu.memref_slice %arg9[%dma_wait3A_245, %dma_wait3A_246] : memref<256x128xf32, #tpu.memory_space<vmem>> -> memref<128x128xf32, #tpu.memory_space<vmem>>
    %dma_wait3A_248 = arith.constant 0 : i32
    %dma_wait3A_249 = tpu.memref_slice %arg8[%dma_wait3A_241, %dma_wait3A_242, %dma_wait3A_243, %dma_wait3A_248] : memref<4x25x2x128xi32, #tpu.memory_space<vmem>> -> memref<1x1x1x128xi32, #tpu.memory_space<vmem>>
    %dma_wait3A_250 = tpu.memref_squeeze %dma_wait3A_249 : memref<1x1x1x128xi32, #tpu.memory_space<vmem>> -> memref<128xi32, #tpu.memory_space<vmem>>
    %dma_wait3A_251 = arith.constant 0 : i32
    %dma_wait3A_252 = arith.constant 0 : i32
    %dma_wait3A_253 = tpu.memref_slice %arg6[%dma_wait3A_251, %dma_wait3A_252] : memref<100000x128xf32, #tpu.memory_space<hbm>> -> memref<100000x128xf32, #tpu.memory_space<hbm>>
    %dma_wait3A_254 = tpu.memref_slice %arg12[%dma_wait3A_244] : memref<9x!tpu.dma_semaphore, #tpu.memory_space<semaphore_mem>> -> memref<1x!tpu.dma_semaphore, #tpu.memory_space<semaphore_mem>>
    %dma_wait3A_255 = tpu.memref_squeeze %dma_wait3A_254 : memref<1x!tpu.dma_semaphore, #tpu.memory_space<semaphore_mem>> -> memref<!tpu.dma_semaphore, #tpu.memory_space<semaphore_mem>>
    tpu.wait_indirect_dma semaphore(%dma_wait3A_255 : memref<!tpu.dma_semaphore, #tpu.memory_space<semaphore_mem>>) src(%dma_wait3A_253 : memref<100000x128xf32, #tpu.memory_space<hbm>>) dst(%dma_wait3A_247 : memref<128x128xf32, #tpu.memory_space<vmem>>)
    %dma_wait3A_256 = arith.constant 3 : i32
    %dma_wait3A_257 = arith.constant 0 : i32
    %dma_wait3A_258 = arith.constant 1 : i32
    %dma_wait3A_259 = arith.constant 3 : i32
    %dma_wait3A_260 = arith.constant 128 : i32
    %dma_wait3A_261 = arith.constant 0 : i32
    %dma_wait3A_262 = tpu.memref_slice %arg9[%dma_wait3A_260, %dma_wait3A_261] : memref<256x128xf32, #tpu.memory_space<vmem>> -> memref<128x128xf32, #tpu.memory_space<vmem>>
    %dma_wait3A_263 = arith.constant 0 : i32
    %dma_wait3A_264 = tpu.memref_slice %arg8[%dma_wait3A_256, %dma_wait3A_257, %dma_wait3A_258, %dma_wait3A_263] : memref<4x25x2x128xi32, #tpu.memory_space<vmem>> -> memref<1x1x1x128xi32, #tpu.memory_space<vmem>>
    %dma_wait3A_265 = tpu.memref_squeeze %dma_wait3A_264 : memref<1x1x1x128xi32, #tpu.memory_space<vmem>> -> memref<128xi32, #tpu.memory_space<vmem>>
    %dma_wait3A_266 = arith.constant 0 : i32
    %dma_wait3A_267 = arith.constant 0 : i32
    %dma_wait3A_268 = tpu.memref_slice %arg6[%dma_wait3A_266, %dma_wait3A_267] : memref<100000x128xf32, #tpu.memory_space<hbm>> -> memref<100000x128xf32, #tpu.memory_space<hbm>>
    %dma_wait3A_269 = tpu.memref_slice %arg12[%dma_wait3A_259] : memref<9x!tpu.dma_semaphore, #tpu.memory_space<semaphore_mem>> -> memref<1x!tpu.dma_semaphore, #tpu.memory_space<semaphore_mem>>
    %dma_wait3A_270 = tpu.memref_squeeze %dma_wait3A_269 : memref<1x!tpu.dma_semaphore, #tpu.memory_space<semaphore_mem>> -> memref<!tpu.dma_semaphore, #tpu.memory_space<semaphore_mem>>
    tpu.wait_indirect_dma semaphore(%dma_wait3A_270 : memref<!tpu.dma_semaphore, #tpu.memory_space<semaphore_mem>>) src(%dma_wait3A_268 : memref<100000x128xf32, #tpu.memory_space<hbm>>) dst(%dma_wait3A_262 : memref<128x128xf32, #tpu.memory_space<vmem>>)
    %add3A_271 = arith.constant 24 : i32
    %add3A_272 = arith.addi %mul3A_2, %add3A_271 : i32
    %mul3A_273 = arith.constant 256 : i32
    %mul3A_274 = arith.muli %add3A_272, %mul3A_273 : i32
    %dma_start3A_275 = arith.constant 6 : i32
    %dma_start3A_276 = arith.constant 0 : i32
    %dma_start3A_277 = tpu.memref_slice %arg7[%mul3A_274, %dma_start3A_276] : memref<204800x128xf32, #tpu.memory_space<hbm>> -> memref<256x128xf32, #tpu.memory_space<hbm>>
    %dma_start3A_278 = tpu.memref_slice %arg12[%dma_start3A_275] : memref<9x!tpu.dma_semaphore, #tpu.memory_space<semaphore_mem>> -> memref<1x!tpu.dma_semaphore, #tpu.memory_space<semaphore_mem>>
    %dma_start3A_279 = tpu.memref_squeeze %dma_start3A_278 : memref<1x!tpu.dma_semaphore, #tpu.memory_space<semaphore_mem>> -> memref<!tpu.dma_semaphore, #tpu.memory_space<semaphore_mem>>
    %dma_start3A_280 = arith.constant 0 : i32
    %dma_start3A_281 = tpu.memref_slice %arg7[%mul3A_274, %dma_start3A_280] : memref<204800x128xf32, #tpu.memory_space<hbm>> -> memref<256x128xf32, #tpu.memory_space<hbm>>
    tpu.enqueue_dma source(%arg9 : memref<256x128xf32, #tpu.memory_space<vmem>>) target(%dma_start3A_281 : memref<256x128xf32, #tpu.memory_space<hbm>>) target_semaphore(%dma_start3A_279 : memref<!tpu.dma_semaphore, #tpu.memory_space<semaphore_mem>>)
    %dma_wait3A_282 = arith.constant 6 : i32
    %dma_wait3A_283 = arith.constant 0 : i32
    %dma_wait3A_284 = arith.constant 0 : i32
    %dma_wait3A_285 = tpu.memref_slice %arg7[%dma_wait3A_283, %dma_wait3A_284] : memref<204800x128xf32, #tpu.memory_space<hbm>> -> memref<256x128xf32, #tpu.memory_space<hbm>>
    %dma_wait3A_286 = tpu.memref_slice %arg12[%dma_wait3A_282] : memref<9x!tpu.dma_semaphore, #tpu.memory_space<semaphore_mem>> -> memref<1x!tpu.dma_semaphore, #tpu.memory_space<semaphore_mem>>
    %dma_wait3A_287 = tpu.memref_squeeze %dma_wait3A_286 : memref<1x!tpu.dma_semaphore, #tpu.memory_space<semaphore_mem>> -> memref<!tpu.dma_semaphore, #tpu.memory_space<semaphore_mem>>
    %dma_wait3A_288 = arith.constant 0 : i32
    %dma_wait3A_289 = arith.constant 0 : i32
    %dma_wait3A_290 = tpu.memref_slice %arg7[%dma_wait3A_288, %dma_wait3A_289] : memref<204800x128xf32, #tpu.memory_space<hbm>> -> memref<256x128xf32, #tpu.memory_space<hbm>>
    tpu.wait_dma2 semaphore(%dma_wait3A_287 : memref<!tpu.dma_semaphore, #tpu.memory_space<semaphore_mem>>) src(%arg9 : memref<256x128xf32, #tpu.memory_space<vmem>>) dst(%dma_wait3A_290 : memref<256x128xf32, #tpu.memory_space<hbm>>)
    return
  }
}

module attributes {stable_mosaic.version = 14 : i64} {
  func.func @mm(%arg0: i32, %arg1: memref<32x4096xf32, #tpu.memory_space<vmem>>, %arg2: memref<32x4096xf32, #tpu.memory_space<vmem>>, %arg3: memref<16x4096xf32, #tpu.memory_space<vmem>>, %arg4: memref<16x4096xf32, #tpu.memory_space<vmem>>, %arg5: memref<96x128xf32, #tpu.memory_space<vmem>>, %arg6: memref<1x128xf32, #tpu.memory_space<vmem>>, %arg7: memref<4096x128xf32, #tpu.memory_space<vmem>>, %arg8: memref<4096x128xf32, #tpu.memory_space<vmem>>, %arg9: memref<4096x128xf32, #tpu.memory_space<vmem>>, %arg10: memref<4096x128xf32, #tpu.memory_space<vmem>>) attributes {dimension_semantics = [#tpu.dimension_semantics<arbitrary>], iteration_bounds = array<i64: 25>, scalar_prefetch = 0 : i64, scratch_operands = 0 : i64, tpu.core_type = #tpu.core_type<tc>, window_params = [{transform_indices = @transform_0, window_bounds = array<i64: 32, 4096>}, {transform_indices = @transform_1, window_bounds = array<i64: 32, 4096>}, {transform_indices = @transform_2, window_bounds = array<i64: 16, 4096>}, {transform_indices = @transform_3, window_bounds = array<i64: 16, 4096>}, {pipeline_mode = #tpu.pipeline_mode<synchronous>, transform_indices = @transform_4, window_bounds = array<i64: 96, 128>}, {pipeline_mode = #tpu.pipeline_mode<synchronous>, transform_indices = @transform_5, window_bounds = array<i64: 1, 128>}, {transform_indices = @transform_6, window_bounds = array<i64: 4096, 128>}, {transform_indices = @transform_7, window_bounds = array<i64: 4096, 128>}, {transform_indices = @transform_8, window_bounds = array<i64: 4096, 128>}, {transform_indices = @transform_9, window_bounds = array<i64: 4096, 128>}]} {
    %get3A = arith.constant 0 : index
    %get3A_0 = arith.constant 0 : index
    %get3A_1 = vector.load %arg1[%get3A, %get3A_0] : memref<32x4096xf32, #tpu.memory_space<vmem>>, vector<32x4096xf32>
    %get3A_2 = arith.constant 0 : index
    %get3A_3 = arith.constant 0 : index
    %get3A_4 = vector.load %arg5[%get3A_2, %get3A_3] : memref<96x128xf32, #tpu.memory_space<vmem>>, vector<32x128xf32>
    %dot_general3A = arith.constant dense<0.000000e+00> : vector<4096x128xf32>
    %dot_general3A_5 = tpu.matmul %get3A_1, %get3A_4, %dot_general3A {dimension_numbers = #tpu.dot_dimension_numbers<[0], [0], [1], [1], [0, 1, 1, 1], [], []>, transpose_lhs_hint = false} : vector<32x4096xf32>, vector<32x128xf32>, vector<4096x128xf32> -> vector<4096x128xf32>
    %get3A_6 = arith.constant 0 : index
    %get3A_7 = arith.constant 0 : index
    %get3A_8 = vector.load %arg6[%get3A_6, %get3A_7] : memref<1x128xf32, #tpu.memory_space<vmem>>, vector<1x128xf32>
    %add3A = vector.broadcast %get3A_8 : vector<1x128xf32> to vector<4096x128xf32>
    %add3A_9 = arith.addf %dot_general3A_5, %add3A : vector<4096x128xf32>
    %swap3A = arith.constant 0 : index
    %swap3A_10 = arith.constant 0 : index
    %swap3A_11 = vector.load %arg7[%swap3A, %swap3A_10] : memref<4096x128xf32, #tpu.memory_space<vmem>>, vector<4096x128xf32>
    tpu.vector_store %arg7[%swap3A, %swap3A_10], %add3A_9 {strides = array<i32>} : memref<4096x128xf32, #tpu.memory_space<vmem>>, vector<4096x128xf32>,
    %get3A_12 = arith.constant 0 : index
    %get3A_13 = arith.constant 0 : index
    %get3A_14 = vector.load %arg2[%get3A_12, %get3A_13] : memref<32x4096xf32, #tpu.memory_space<vmem>>, vector<32x4096xf32>
    %get3A_15 = arith.constant 32 : index
    %get3A_16 = arith.constant 0 : index
    %get3A_17 = vector.load %arg5[%get3A_15, %get3A_16] : memref<96x128xf32, #tpu.memory_space<vmem>>, vector<32x128xf32>
    %dot_general3A_18 = arith.constant dense<0.000000e+00> : vector<4096x128xf32>
    %dot_general3A_19 = tpu.matmul %get3A_14, %get3A_17, %dot_general3A_18 {dimension_numbers = #tpu.dot_dimension_numbers<[0], [0], [1], [1], [0, 1, 1, 1], [], []>, transpose_lhs_hint = false} : vector<32x4096xf32>, vector<32x128xf32>, vector<4096x128xf32> -> vector<4096x128xf32>
    %swap3A_20 = arith.constant 0 : index
    %swap3A_21 = arith.constant 0 : index
    %swap3A_22 = vector.load %arg8[%swap3A_20, %swap3A_21] : memref<4096x128xf32, #tpu.memory_space<vmem>>, vector<4096x128xf32>
    tpu.vector_store %arg8[%swap3A_20, %swap3A_21], %dot_general3A_19 {strides = array<i32>} : memref<4096x128xf32, #tpu.memory_space<vmem>>, vector<4096x128xf32>,
    %get3A_23 = arith.constant 0 : index
    %get3A_24 = arith.constant 0 : index
    %get3A_25 = vector.load %arg3[%get3A_23, %get3A_24] : memref<16x4096xf32, #tpu.memory_space<vmem>>, vector<16x4096xf32>
    %get3A_26 = arith.constant 64 : index
    %get3A_27 = arith.constant 0 : index
    %get3A_28 = vector.load %arg5[%get3A_26, %get3A_27] : memref<96x128xf32, #tpu.memory_space<vmem>>, vector<16x128xf32>
    %dot_general3A_29 = arith.constant dense<0.000000e+00> : vector<4096x128xf32>
    %dot_general3A_30 = tpu.matmul %get3A_25, %get3A_28, %dot_general3A_29 {dimension_numbers = #tpu.dot_dimension_numbers<[0], [0], [1], [1], [0, 1, 1, 1], [], []>, transpose_lhs_hint = false} : vector<16x4096xf32>, vector<16x128xf32>, vector<4096x128xf32> -> vector<4096x128xf32>
    %swap3A_31 = arith.constant 0 : index
    %swap3A_32 = arith.constant 0 : index
    %swap3A_33 = vector.load %arg9[%swap3A_31, %swap3A_32] : memref<4096x128xf32, #tpu.memory_space<vmem>>, vector<4096x128xf32>
    tpu.vector_store %arg9[%swap3A_31, %swap3A_32], %dot_general3A_30 {strides = array<i32>} : memref<4096x128xf32, #tpu.memory_space<vmem>>, vector<4096x128xf32>,
    %get3A_34 = arith.constant 0 : index
    %get3A_35 = arith.constant 0 : index
    %get3A_36 = vector.load %arg4[%get3A_34, %get3A_35] : memref<16x4096xf32, #tpu.memory_space<vmem>>, vector<16x4096xf32>
    %get3A_37 = arith.constant 80 : index
    %get3A_38 = arith.constant 0 : index
    %get3A_39 = vector.load %arg5[%get3A_37, %get3A_38] : memref<96x128xf32, #tpu.memory_space<vmem>>, vector<16x128xf32>
    %dot_general3A_40 = arith.constant dense<0.000000e+00> : vector<4096x128xf32>
    %dot_general3A_41 = tpu.matmul %get3A_36, %get3A_39, %dot_general3A_40 {dimension_numbers = #tpu.dot_dimension_numbers<[0], [0], [1], [1], [0, 1, 1, 1], [], []>, transpose_lhs_hint = false} : vector<16x4096xf32>, vector<16x128xf32>, vector<4096x128xf32> -> vector<4096x128xf32>
    %swap3A_42 = arith.constant 0 : index
    %swap3A_43 = arith.constant 0 : index
    %swap3A_44 = vector.load %arg10[%swap3A_42, %swap3A_43] : memref<4096x128xf32, #tpu.memory_space<vmem>>, vector<4096x128xf32>
    tpu.vector_store %arg10[%swap3A_42, %swap3A_43], %dot_general3A_41 {strides = array<i32>} : memref<4096x128xf32, #tpu.memory_space<vmem>>, vector<4096x128xf32>,
    return
  }
  func.func @transform_0(%arg0: i32) -> (i32, i32) {
    %c0_i32 = arith.constant 0 : i32
    %c0_i32_0 = arith.constant 0 : i32
    return %c0_i32, %arg0 : i32, i32
  }
  func.func @transform_1(%arg0: i32) -> (i32, i32) {
    %c0_i32 = arith.constant 0 : i32
    %c0_i32_0 = arith.constant 0 : i32
    return %c0_i32, %arg0 : i32, i32
  }
  func.func @transform_2(%arg0: i32) -> (i32, i32) {
    %c0_i32 = arith.constant 0 : i32
    %c0_i32_0 = arith.constant 0 : i32
    return %c0_i32, %arg0 : i32, i32
  }
  func.func @transform_3(%arg0: i32) -> (i32, i32) {
    %c0_i32 = arith.constant 0 : i32
    %c0_i32_0 = arith.constant 0 : i32
    return %c0_i32, %arg0 : i32, i32
  }
  func.func @transform_4(%arg0: i32) -> (i32, i32) {
    %c0_i32 = arith.constant 0 : i32
    %c0_i32_0 = arith.constant 0 : i32
    %c0_i32_1 = arith.constant 0 : i32
    return %c0_i32, %c0_i32_0 : i32, i32
  }
  func.func @transform_5(%arg0: i32) -> (i32, i32) {
    %c0_i32 = arith.constant 0 : i32
    %c0_i32_0 = arith.constant 0 : i32
    %c0_i32_1 = arith.constant 0 : i32
    return %c0_i32, %c0_i32_0 : i32, i32
  }
  func.func @transform_6(%arg0: i32) -> (i32, i32) {
    %c0_i32 = arith.constant 0 : i32
    %c0_i32_0 = arith.constant 0 : i32
    return %arg0, %c0_i32 : i32, i32
  }
  func.func @transform_7(%arg0: i32) -> (i32, i32) {
    %c0_i32 = arith.constant 0 : i32
    %c0_i32_0 = arith.constant 0 : i32
    return %arg0, %c0_i32 : i32, i32
  }
  func.func @transform_8(%arg0: i32) -> (i32, i32) {
    %c0_i32 = arith.constant 0 : i32
    %c0_i32_0 = arith.constant 0 : i32
    return %arg0, %c0_i32 : i32, i32
  }
  func.func @transform_9(%arg0: i32) -> (i32, i32) {
    %c0_i32 = arith.constant 0 : i32
    %c0_i32_0 = arith.constant 0 : i32
    return %arg0, %c0_i32 : i32, i32
  }
}

</mosaic_0001>

<sc_bundles>
// kernel: kernel.4.cloned.1.call-start
scs
__scs_entry_jumppad:
0x0: {  	(pc) =	sbr.rel $0x88, $3  }
0x1: {  	(tag) =	ssettag $0x0;
	lr =	simm.s32 $0x1  }
0x2: {  	[smem:$0x3F9A] =	sst lr;
	_ =	strace $0xD0000000  }
0x3: {  	_ = 	snop  }
0x4: {  	_ = 	snop  }
0x5: {  	_ = 	snop  }
0x6: {  	_ = 	snop  }
0x7: {  	_ = 	snop  }
__scs_overlays_trampoline_lowered:
0x8: {  	[smem:$0x3FA9] =	sst s0  }
0x9: {  	[smem:$0x3FAA] =	sst s1  }
0xa: {  	[smem:$0x3FAB] =	sst s2  }
0xb: {  	[smem:$0x3FAC] =	sst s3  }
0xc: {  	[smem:$0x3FAD] =	sst s4  }
0xd: {  	[smem:$0x3FAE] =	sst s5  }
0xe: {  	[smem:$0x3FAF] =	sst s6  }
0xf: {  	[smem:$0x3FB0] =	sst s7  }
0x10: {  	[smem:$0x3FB1] =	sst s8  }
0x11: {  	[smem:$0x3FB2] =	sst s9;
	s0 =	simm.s32 @!p0 $0x0  }
0x12: {  	s1 =	sld [smem:$0x3F98];
	s0 =	simm.s32 @p0 $0x1  }
0x13: {  	[smem:$0x3FB3] =	sst s0;
	s0 =	simm.s32 @!p1 $0x0  }
0x14: {  	s2 =	sld [smem:$0x3F97];
	s0 =	simm.s32 @p1 $0x1  }
0x15: {  	[smem:$0x3FB4] =	sst s0;
	s0 =	simm.s32 @!p2 $0x0  }
0x16: {  	s3 =	sld [smem:$0x3FDB];
	s0 =	simm.s32 @p2 $0x1  }
0x17: {  	s4 =	simm.s32 $0x1BF5;
	[smem:$0x3FB6] =	sst s0  }
0x18: {  	s0 =	sld [smem:$0x3F99];
	_ =	swait.ge [sflag:s4], $0x0  }
0x19: {  	s7 =	sld [smem:$0x3F9A]  }
0x1a: {  	s8 =	sadd.s32 $0xFFFFE003, lr  }
0x1b: {  	s9 =	sadd.s32 $0xFFFFFEF7, lr;
	s5 =	simm.s32 $0xFFFFFFFF;
	p2 =	slt.u32 s8, $0xFFFFF086  }
0x1c: {  	p1 =	slt.u32 s9, $0xF7A;
	s5 =	simm.s32 @!p2 $0x0  }
0x1d: {  	s5 =	simm.s32 @p1 $0x1;
	p0 =	seq.s32 s7, s2  }
0x1e: {  	s7 =	smul.u32 @!p0 $0xF7A, s2;
	p2 =	seq.s32 @!p0 s5, $0x0  }
0x1f: {  	s9 =	smul.u32 $0xF7A, s1;
	s8 =	simm.s32 @!p0 $0x1BF5;
	p2 =	por !p2, p0  }
0x20: {  	[sflag:s8] =	ssyncset.s32 @!p0 $0xFFFFF086;
	s6 =	sadd.s32 @!p0 s3, s7;
	s7 =	simm.s32 @!p0 $0x108  }
0x21: {  	s3 =	sadd.s32 s3, s9;
	s6 =	sadd.s32 @!p0 $0x88, s6;
	s7 =	simm.s32 @p2 $0x1082  }
0x22: {  	[simem:s7], [sflag:s8] =	dma.local @!p0 [hbm:s6], $0xF7A  }
0x23: {  	s9 =	sor.u32 $0xD0000000, s2;
	s6 =	simm.s32 $0x108;
	_ =	swait.ge @!p0 [sflag:s8], $0x0  }
0x24: {  	s3 =	sadd.s32 $0x88, s3;
	s6 =	simm.s32 @!p1 $0x1082;
	[sflag:s4] =	ssyncset.s32 $0xFFFFF086  }
0x25: {  	[simem:s6], [sflag:s4] =	dma.local [hbm:s3], $0xF7A  }
0x26: {  	[smem:$0x3F9A] =	sst s1;
	(tag) =	ssettag s2;
	_ =	strace s9  }
0x27: {  	s1 =	sld [smem:$0x3FAA]  }
0x28: {  	s2 =	sld [smem:$0x3FAB]  }
0x29: {  	s4 =	sld [smem:$0x3FAD]  }
0x2a: {  	p0 =	seq.s32 s5, $0x0;
	s5 =	sld [smem:$0x3FAE]  }
0x2b: {  	s6 =	sld [smem:$0x3FAF]  }
0x2c: {  	s7 =	sld [smem:$0x3FB0]  }
0x2d: {  	s3 =	simm.s32 $0x108;
	s8 =	sld [smem:$0x3FB1]  }
0x2e: {  	s3 =	simm.s32 @!p0 $0x1082;
	s9 =	sld [smem:$0x3FB2]  }
0x2f: {  	lr =	sadd.s32 s0, s3;
	s0 =	sld [smem:$0x3FA9]  }
0x30: {  	s3 =	sld [smem:$0x3FAC]  }
0x31: {  	[smem:$0x3FB5] =	sst s10  }
0x32: {  	s10 =	sld [smem:$0x3FB3];
	_ =	sdelay $0x3  }
0x33: {  	p0 =	seq.s32 s10, $0x1;
	s10 =	sld [smem:$0x3FB5];
	_ =	sdelay $0x3  }
0x34: {  	[smem:$0x3FB5] =	sst s10  }
0x35: {  	s10 =	sld [smem:$0x3FB4];
	_ =	sdelay $0x3  }
0x36: {  	p1 =	seq.s32 s10, $0x1;
	s10 =	sld [smem:$0x3FB5];
	_ =	sdelay $0x3  }
0x37: {  	[smem:$0x3FB5] =	sst s10  }
0x38: {  	s10 =	sld [smem:$0x3FB6]  }
0x39: {  	_ = 	snop;
	(pc) =	sbr.ind lr, $3  }
0x3a: {  	_ = 	snop  }
0x3b: {  	_ = 	snop  }
0x3c: {  	p2 =	seq.s32 s10, $0x1;
	s10 =	sld [smem:$0x3FB5]  }
0x3d: {  	_ =	shalt  }
0x3e: {  	_ =	shalt  }
0x3f: {  	_ =	shalt  }
0x40: {  	_ =	shalt  }
0x41: {  	_ =	shalt  }
0x42: {  	_ =	shalt  }
0x43: {  	_ =	shalt  }
0x44: {  	_ =	shalt  }
0x45: {  	_ =	shalt  }
0x46: {  	_ =	shalt  }
0x47: {  	_ =	shalt  }
0x48: {  	_ =	shalt  }
0x49: {  	_ =	shalt  }
0x4a: {  	_ =	shalt  }
0x4b: {  	_ =	shalt  }
0x4c: {  	_ =	shalt  }
0x4d: {  	_ =	shalt  }
0x4e: {  	_ =	shalt  }
0x4f: {  	_ =	shalt  }
0x50: {  	_ =	shalt  }
0x51: {  	_ =	shalt  }
0x52: {  	_ =	shalt  }
0x53: {  	_ =	shalt  }
0x54: {  	_ =	shalt  }
0x55: {  	_ =	shalt  }
0x56: {  	_ =	shalt  }
0x57: {  	_ =	shalt  }
0x58: {  	_ =	shalt  }
0x59: {  	_ =	shalt  }
0x5a: {  	_ =	shalt  }
0x5b: {  	_ =	shalt  }
0x5c: {  	_ =	shalt  }
0x5d: {  	_ =	shalt  }
0x5e: {  	_ =	shalt  }
0x5f: {  	_ =	shalt  }
0x60: {  	_ =	shalt  }
0x61: {  	_ =	shalt  }
0x62: {  	_ =	shalt  }
0x63: {  	_ =	shalt  }
0x64: {  	_ =	shalt  }
0x65: {  	_ =	shalt  }
0x66: {  	_ =	shalt  }
0x67: {  	_ =	shalt  }
0x68: {  	_ =	shalt  }
0x69: {  	_ =	shalt  }
0x6a: {  	_ =	shalt  }
0x6b: {  	_ =	shalt  }
0x6c: {  	_ =	shalt  }
0x6d: {  	_ =	shalt  }
0x6e: {  	_ =	shalt  }
0x6f: {  	_ =	shalt  }
0x70: {  	_ =	shalt  }
0x71: {  	_ =	shalt  }
0x72: {  	_ =	shalt  }
0x73: {  	_ =	shalt  }
0x74: {  	_ =	shalt  }
0x75: {  	_ =	shalt  }
0x76: {  	_ =	shalt  }
0x77: {  	_ =	shalt  }
0x78: {  	_ =	shalt  }
0x79: {  	_ =	shalt  }
0x7a: {  	_ =	shalt  }
0x7b: {  	_ =	shalt  }
0x7c: {  	_ =	shalt  }
0x7d: {  	_ =	shalt  }
0x7e: {  	_ =	shalt  }
0x7f: {  	_ =	shalt  }
0x80: {  	_ =	shalt  }
0x81: {  	_ =	shalt  }
0x82: {  	_ =	shalt  }
0x83: {  	_ =	shalt  }
0x84: {  	_ =	shalt  }
0x85: {  	_ =	shalt  }
0x86: {  	_ =	shalt  }
0x87: {  	_ =	shalt  }
.Lfunc_end0:
.L_simem_size_0:
called_computation_lowered:
.L_overlay_start_0:
0x88: {  	s2 =	sld [smem:$0x3FD9]  }
0x89: {  	s3 =	sld [smem:$0x3FFE];
	_ =	sdelay $0x1  }
0x8a: {  	s1 =	srdreg.scid  }
0x8b: {  	s0 =	sand.u32 $0x1, s1  }
0x8c: {  	s17 =	sshll.u32 s0, $0xA;
	s2 =	sadd.s32 s3, s2  }
0x8d: {  	s2 =	sadd.s32 s2, s17  }
0x8e: {  	[smem:$0x3FC1] =	sst s2  }
0x8f: {  	_ = 	snop  }
0x90: {  	s2 =	sld [smem:$0x3FD0];
	(tm) =	ssettm $0x1  }
0x91: {  	s18 =	sld [smem:$0x3FFB];
	_ =	sdelay $0x3  }
0x92: {  	_ =	strace s18  }
0x93: {  	s3 =	sld [smem:$0x3FFC];
	_ =	sdelay $0x3  }
0x94: {  	_ =	strace s3  }
0x95: {  	s3 =	sld [smem:$0x3FFD];
	_ =	sdelay $0x3  }
0x96: {  	_ =	strace s3  }
0x97: {  	_ =	strace $0x8FFFFFFF  }
0x98: {  	s19 =	sld [smem:$0x3FDB];
	_ =	sdelay $0x1  }
0x99: {  	s4 =	simm.s32 $_scs_section_size  }
0x9a: {  	s5 =	simm.s32 $_size__tile_overlayer_lowered;
	s6 =	simm.s32 $_tile_overlayer_lowered  }
0x9b: {  	s22 =	simm.s32 $0x1BFF;
	s21 =	sshll.u32 s6, $0x1;
	s3 =	sadd.s32 s4, s19  }
0x9c: {  	s7 =	simm.s32 $0x0;
	s20 =	sshll.u32 s5, $0x1;
	s5 =	sadd.s32 s21, s3  }
0x9d: {  	[timem:s7], [sflag:s22] =	dma.local [hbm:s5], s20  }
0x9e: {  	_ =	swait.ge [sflag:s22], s20  }
0x9f: {  	s4 =	ssub.s32 $0x0, s20;
	[sflag:s22] =	ssyncset.done $0x0  }
0xa0: {  	[sflag:s22] =	ssyncadd.s32 s4;
	_ =	sdelay $0x1  }
0xa1: {  	s23 =	simm.s32 $0x1B8B  }
0xa2: {  	_ =	swait.ge [sflag:s23], $0x1  }
0xa3: {  	[sflag:s23] =	ssyncset.done $0x0  }
0xa4: {  	s25 =	simm.s32 $0x1B8E;
	s24 =	sld [smem:$0x3FFE];
	[sflag:s23] =	ssyncadd.s32 $0xFFFFFFFF  }
0xa5: {  	s26 =	simm.s32 $execute0_lowered;
	[smem:$0x3FD2] =	sst s25  }
0xa6: {  	s5 =	sshll.u32 s26, $0x1;
	_ =	strace $0x80000046;
	[dreg:$0x1] =	wrdreg $0xFFFFFFFF  }
0xa7: {  	s28 =	simm.s32 $_size_execute0_lowered;
	s3 =	sadd.s32 s3, s5;
	[dreg:$0x0] =	wrdreg $0x0  }
0xa8: {  	s5 =	sshll.u32 s28, $0x1;
	[dreg:$0x2] =	wrdreg s3  }
0xa9: {  	[dreg:$0x3] =	wrdreg s5  }
0xaa: {  	[dreg:$0x4] =	wrdreg $0xC0  }
0xab: {  	_ =	task [dreg:s7], $0x5FFFF  }
0xac: {  	[dreg:$0x1] =	wrdreg $0xFFFFFFFF  }
0xad: {  	[dreg:$0x0] =	wrdreg $0x60  }
0xae: {  	[dreg:$0x2] =	wrdreg s24  }
0xaf: {  	[dreg:$0x3] =	wrdreg s2  }
0xb0: {  	[dreg:$0x4] =	wrdreg $0x9  }
0xb1: {  	_ =	task.clear_ibuf [dreg:s7], $0x5FFFF;
	_ =	strace $0x90000046  }
0xb2: {  	s29 =	simm.s32 $0x9;
	_ =	strace $0x80000048  }
0xb3: {  	_ =	swait.ge [sflag:s29], $0x1  }
0xb4: {  	[sflag:s29] =	ssyncadd.s32 $0xFFFFFFFF  }
0xb5: {  	_ =	strace $0x90000048  }
0xb6: {  	_ =	sfence  }
0xb7: {  	s30 =	sld [smem:$0x0];
	_ =	sdelay $0x2  }
0xb8: {  	s31 =	sshll.u32 s1, $0xD;
	s1 =	sshrl.u32 s1, $0x2  }
0xb9: {  	s3 =	sand.u32 $0x4000, s31;
	s1 =	sadd.s32 s1, s30  }
0xba: {  	s0 =	sor.u32 s3, s0;
	s1 =	sshll.u32 s1, $0x11  }
0xbb: {  	s0 =	sor.u32 s1, s0  }
0xbc: {  	s0 =	sadd.s32 $0x8F2B, s0  }
0xbd: {  	[sflag:s0] =	ssyncadd.remote.s32 $0x1  }
0xbe: {  	_ =	sfence.sel $0xFFFF  }
0xbf: {  	[dreg:$0x0] =	wrdreg $0xFFFFFFFF;
	(pc) =	sbr.abs _section_cstart, $3  }
0xc0: {  	[dreg:$0x1] =	wrdreg $0xFFFFFFFF  }
0xc1: {  	_ =	task.clear_ibuf [dreg:s7], $0x2FFFF;
	_ =	strace $0x9FFFFFFF  }
0xc2: {  	(tm) =	ssettm $0x7FFFFFFF  }
0xc3: {  	_ =	shalt  }
tec
execute0_lowered:
.L_overlay_start_1:
0x0: {  	(tag) =	ssettag $0x1  }
0x1: {  	s0 =	srdreg.scid  }
0x2: {  	s12 =	stileid.u32;
	s6 =	rddreg [dreg:$0x0]  }
0x3: {  	s7 =	rddreg [dreg:$0x1];
	s2 =	simm.s32 $0x0;
	s16 =	simm.s32 $0xA  }
0x4: {  	s20 =	simm.s32 $0x80;
	s28 =	simm.s32 $0x2;
	s29 =	simm.s32 $0x16400  }
0x5: {  	s30 =	simm.s32 $0x1A400;
	s31 =	simm.s32 $0x5;
	s23 =	smul.u32 $0x19, s12  }
0x6: {  	s17 =	simm.s32 $0x6;
	s0 =	sand.u32 $0x1, s0;
	s26 =	smul.u32 $0x19000, s12  }
0x7: {  	s4 =	sadd.s32 $0x1A0800, s6;
	s1 =	sshll.u32 s0, $0x4;
	s21 =	smul.u32 $0x190, s0  }
0x8: {  	s9 =	ssub.s32 $0x2, s0;
	s0 =	smul.u32 $0x190000, s0;
	s1 =	sor.u32 s12, s1  }
0x9: {  	[smem:$0x7FF] =	sst s2;
	s5 =	sadd.s32 $0x327200, s6;
	s3 =	smul.u32 $0x1900, s1  }
0xa: {  	_ =	strace $0x80000047;
	s10 =	sshrl.u32 s9, $0x1;
	s1 =	smul.u32 $0xC8000, s1  }
0xb: {  	s9 =	ssub.s32 s9, s10;
	s24 =	sadd.s32 s23, s21;
	s0 =	sadd.s32 s0, s7  }
0xc: {  	s21 =	simm.s32 $0x6400;
	s23 =	simm.s32 $0x1;
	s25 =	sshll.u32 s24, $0xC  }
0xd: {  	s9 =	smax.u32 s9, $0x1;
	s0 =	sadd.s32 s26, s0;
	s3 =	sshrl.u32 s3, $0x3  }
0xe: {  	s24 =	simm.s32 $0xE400;
	[dreg:$0x8] =	wrdreg s9;
	s8 =	sadd.s32 s3, s6  }
0xf: {  	s26 =	simm.s32 $0x4;
	[dreg:$0x9] =	wrdreg s0;
	s11 =	sadd.s32 $0xE00, s8  }
0x10: {  	s1 =	sshrl.u32 s1, $0x3;
	s22 =	sadd.s32 $0x7200, s8;
	[dreg:$0x3] =	wrdreg s11  }
0x11: {  	s0 =	simm.s32 $0x7;
	s13 =	sadd.s32 $0xD600, s8;
	[dreg:$0x4] =	wrdreg s22  }
0x12: {  	s1 =	sadd.s32 s7, s1;
	s8 =	sadd.s32 $0x13A00, s8;
	[dreg:$0x5] =	wrdreg s13  }
0x13: {  	s3 =	sadd.s32 $0x19E00, s6;
	s1 =	sadd.s32 $0x18000, s1;
	[dreg:$0x6] =	wrdreg s8  }
0x14: {  	s6 =	sadd.s32 $0x4ADC00, s6;
	[dreg:$0x7] =	wrdreg s1;
	s1 =	sadd.s32 s7, s25  }
0x15: {  	s22 =	simm.s32 $0xA400;
	s25 =	simm.s32 $0x12400;
	s7 =	simm.s32 $0x0  }
0x16: {  	s12 =	sadd.s32 $0x2000, s1;
	s15 =	sadd.s32 $0x1000, s1;
	s1 =	simm.s32 $0x3  }
.LBB2_1:
0x17: {  	s8 =	rddreg [dreg:$0x3]  }
0x18: {  	[tilespmem:s2], [sflag:$0xA] =	stream.linear.gather [hbm4b:s8+s2], $0x1900, $0x38;
	[tilespmem:$0x1E400] =	vst v63  }
0x19: {  	_ =	swait.ge [sflag:s16], $0x1900  }
0x1a: {  	[sflag:s16] =	ssyncset.done $0x0  }
0x1b: {  	s9 =	simm.s32 $0x1900;
	s14 =	rddreg [dreg:$0x4];
	[sflag:s16] =	ssyncadd.s32 $0xFFFFE700  }
0x1c: {  	[tilespmem:s9], [sflag:$0xA] =	stream.linear.gather [hbm4b:s14+s2], $0x1900, $0x38;
	[tilespmem:$0x1E400] =	vst v63  }
0x1d: {  	_ =	swait.ge [sflag:s16], $0x1900  }
0x1e: {  	[sflag:s16] =	ssyncset.done $0x0  }
0x1f: {  	s19 =	simm.s32 $0x3200;
	s18 =	rddreg [dreg:$0x5];
	[sflag:s16] =	ssyncadd.s32 $0xFFFFE700  }
0x20: {  	[tilespmem:s19], [sflag:$0xA] =	stream.linear.gather [hbm4b:s18+s2], $0x1900, $0x38;
	[tilespmem:$0x1E400] =	vst v63  }
0x21: {  	_ =	swait.ge [sflag:s16], $0x1900  }
0x22: {  	[sflag:s16] =	ssyncset.done $0x0  }
0x23: {  	s10 =	simm.s32 $0x4B00;
	s9 =	rddreg [dreg:$0x6];
	[sflag:s16] =	ssyncadd.s32 $0xFFFFE700  }
0x24: {  	[tilespmem:s10], [sflag:$0xA] =	stream.linear.gather [hbm4b:s9+s2], $0x1900, $0x38;
	[tilespmem:$0x1E400] =	vst v63  }
0x25: {  	_ =	swait.ge [sflag:s16], $0x1900  }
0x26: {  	[sflag:s16] =	ssyncset.done $0x0  }
0x27: {  	[sflag:s16] =	ssyncadd.s32 $0xFFFFE700  }
0x28: {  	[tilespmem:s21], [sflag:$0x1] =	stream.indirect.gather [hbm4b:s3+s20], $0x80, s2, s20, $0xb8;
	[tilespmem:$0x1E400] =	vst v63  }
0x29: {  	_ = 	snop  }
0x2a: {  	[tilespmem:s22], [sflag:$0x1] =	stream.indirect.gather [hbm4b:s3+s20], $0x80, s20, s20, $0xb8;
	[tilespmem:$0x1E400] =	vst v63  }
0x2b: {  	_ =	swait.ge [sflag:s23], $0x4000  }
0x2c: {  	[sflag:s23] =	ssyncset.done $0x0  }
0x2d: {  	[sflag:s23] =	ssyncadd.s32 $0xFFFFC000  }
0x2e: {  	_ =	swait.ge [sflag:s23], $0x4000  }
0x2f: {  	[sflag:s23] =	ssyncset.done $0x0  }
0x30: {  	s11 =	simm.s32 $0x1900;
	[sflag:s23] =	ssyncadd.s32 $0xFFFFC000  }
0x31: {  	[tilespmem:s21], [sflag:$0x4] =	stream.indirect.gather.add.f32 [hbm:s4], $0x80, s11, s20, $0xb8;
	[tilespmem:$0x1E400] =	vst v63  }
0x32: {  	s13 =	simm.s32 $0x1980  }
0x33: {  	[tilespmem:s22], [sflag:$0x4] =	stream.indirect.gather.add.f32 [hbm:s4], $0x80, s13, s20, $0xb8;
	[tilespmem:$0x1E400] =	vst v63  }
0x34: {  	s14 =	simm.s32 $0x3200  }
0x35: {  	[tilespmem:s21], [sflag:$0x4] =	stream.indirect.gather.add.f32 [hbm:s5], $0x80, s14, s20, $0xb8;
	[tilespmem:$0x1E400] =	vst v63  }
0x36: {  	s18 =	simm.s32 $0x3280  }
0x37: {  	[tilespmem:s22], [sflag:$0x4] =	stream.indirect.gather.add.f32 [hbm:s5], $0x80, s18, s20, $0xb8;
	[tilespmem:$0x1E400] =	vst v63  }
0x38: {  	p0 =	por $0x1, $0x1;
	s19 =	simm.s32 $0x4B00  }
0x39: {  	[tilespmem:s21], [sflag:$0x4] =	stream.indirect.gather.add.f32 [hbm:s6], $0x80, s19, s20, $0xb8;
	[tilespmem:$0x1E400] =	vst v63  }
0x3a: {  	s8 =	simm.s32 @!p0 $0x8;
	s9 =	simm.s32 $0x4B80  }
0x3b: {  	[tilespmem:s22], [sflag:$0x4] =	stream.indirect.gather.add.f32 [hbm:s6], $0x80, s9, s20, $0xb8;
	[tilespmem:$0x1E400] =	vst v63  }
0x3c: {  	_ =	swait.ge @!p0 [sflag:s8], $0x8000  }
0x3d: {  	[sflag:s8] =	ssyncset.done @!p0 $0x0  }
0x3e: {  	s10 =	simm.s32 $0x100;
	[sflag:s8] =	ssyncadd.s32 @!p0 $0xFFFF8000  }
0x3f: {  	[tilespmem:s24], [sflag:$0x2] =	stream.indirect.gather [hbm4b:s3+s20], $0x80, s10, s20, $0xb8;
	[tilespmem:$0x1E400] =	vst v63  }
0x40: {  	s11 =	simm.s32 $0x180  }
0x41: {  	[tilespmem:s25], [sflag:$0x2] =	stream.indirect.gather [hbm4b:s3+s20], $0x80, s11, s20, $0xb8;
	[tilespmem:$0x1E400] =	vst v63  }
0x42: {  	_ =	swait.ge [sflag:s26], $0x4000  }
0x43: {  	[sflag:s26] =	ssyncset.done $0x0  }
0x44: {  	[sflag:s26] =	ssyncadd.s32 $0xFFFFC000  }
0x45: {  	_ =	swait.ge [sflag:s26], $0x4000  }
0x46: {  	[sflag:s26] =	ssyncset.done $0x0  }
0x47: {  	[sflag:s26] =	ssyncadd.s32 $0xFFFFC000  }
0x48: {  	_ =	swait.ge [sflag:s26], $0x4000  }
0x49: {  	[sflag:s26] =	ssyncset.done $0x0  }
0x4a: {  	[sflag:s26] =	ssyncadd.s32 $0xFFFFC000  }
0x4b: {  	_ =	swait.ge [sflag:s26], $0x4000  }
0x4c: {  	[sflag:s26] =	ssyncset.done $0x0  }
0x4d: {  	[sflag:s26] =	ssyncadd.s32 $0xFFFFC000  }
0x4e: {  	_ =	swait.ge [sflag:s26], $0x4000  }
0x4f: {  	[sflag:s26] =	ssyncset.done $0x0  }
0x50: {  	[sflag:s26] =	ssyncadd.s32 $0xFFFFC000  }
0x51: {  	_ =	swait.ge [sflag:s26], $0x4000  }
0x52: {  	[sflag:s26] =	ssyncset.done $0x0  }
0x53: {  	s10 =	rddreg [dreg:$0x9];
	[sflag:s26] =	ssyncadd.s32 $0xFFFFC000  }
0x54: {  	[hbm4b:s10+s2] =	stream.linear.scatter [tilespmem:s21], [sflag:$0x7], $0x8000, $0x38;
	[tilespmem:$0x1E400] =	vst v63  }
0x55: {  	_ =	swait.ge [sflag:s28], $0x4000  }
0x56: {  	[sflag:s28] =	ssyncset.done $0x0  }
0x57: {  	[sflag:s28] =	ssyncadd.s32 $0xFFFFC000  }
0x58: {  	_ =	swait.ge [sflag:s28], $0x4000  }
0x59: {  	[sflag:s28] =	ssyncset.done $0x0  }
0x5a: {  	s13 =	simm.s32 $0x1A00;
	[sflag:s28] =	ssyncadd.s32 $0xFFFFC000  }
0x5b: {  	[tilespmem:s24], [sflag:$0x5] =	stream.indirect.gather.add.f32 [hbm:s4], $0x80, s13, s20, $0xb8;
	[tilespmem:$0x1E400] =	vst v63  }
0x5c: {  	s14 =	simm.s32 $0x1A80  }
0x5d: {  	[tilespmem:s25], [sflag:$0x5] =	stream.indirect.gather.add.f32 [hbm:s4], $0x80, s14, s20, $0xb8;
	[tilespmem:$0x1E400] =	vst v63  }
0x5e: {  	s18 =	simm.s32 $0x3300  }
0x5f: {  	[tilespmem:s24], [sflag:$0x5] =	stream.indirect.gather.add.f32 [hbm:s5], $0x80, s18, s20, $0xb8;
	[tilespmem:$0x1E400] =	vst v63  }
0x60: {  	s19 =	simm.s32 $0x3380  }
0x61: {  	[tilespmem:s25], [sflag:$0x5] =	stream.indirect.gather.add.f32 [hbm:s5], $0x80, s19, s20, $0xb8;
	[tilespmem:$0x1E400] =	vst v63  }
0x62: {  	s9 =	simm.s32 $0x4C00  }
0x63: {  	[tilespmem:s24], [sflag:$0x5] =	stream.indirect.gather.add.f32 [hbm:s6], $0x80, s9, s20, $0xb8;
	[tilespmem:$0x1E400] =	vst v63  }
0x64: {  	s11 =	simm.s32 $0x4C80;
	s9 =	simm.s32 @!p0 $0x9  }
0x65: {  	[tilespmem:s25], [sflag:$0x5] =	stream.indirect.gather.add.f32 [hbm:s6], $0x80, s11, s20, $0xb8;
	[tilespmem:$0x1E400] =	vst v63  }
0x66: {  	_ =	swait.ge @!p0 [sflag:s9], $0x8000  }
0x67: {  	[sflag:s9] =	ssyncset.done @!p0 $0x0  }
0x68: {  	s13 =	simm.s32 $0x200;
	[sflag:s9] =	ssyncadd.s32 @!p0 $0xFFFF8000  }
0x69: {  	[tilespmem:s29], [sflag:$0x3] =	stream.indirect.gather [hbm4b:s3+s20], $0x80, s13, s20, $0xb8;
	[tilespmem:$0x1E400] =	vst v63  }
0x6a: {  	s14 =	simm.s32 $0x280  }
0x6b: {  	[tilespmem:s30], [sflag:$0x3] =	stream.indirect.gather [hbm4b:s3+s20], $0x80, s14, s20, $0xb8;
	[tilespmem:$0x1E400] =	vst v63  }
0x6c: {  	_ =	swait.ge [sflag:s31], $0x4000  }
0x6d: {  	[sflag:s31] =	ssyncset.done $0x0  }
0x6e: {  	[sflag:s31] =	ssyncadd.s32 $0xFFFFC000  }
0x6f: {  	_ =	swait.ge [sflag:s31], $0x4000  }
0x70: {  	[sflag:s31] =	ssyncset.done $0x0  }
0x71: {  	[sflag:s31] =	ssyncadd.s32 $0xFFFFC000  }
0x72: {  	_ =	swait.ge [sflag:s31], $0x4000  }
0x73: {  	[sflag:s31] =	ssyncset.done $0x0  }
0x74: {  	[sflag:s31] =	ssyncadd.s32 $0xFFFFC000  }
0x75: {  	_ =	swait.ge [sflag:s31], $0x4000  }
0x76: {  	[sflag:s31] =	ssyncset.done $0x0  }
0x77: {  	[sflag:s31] =	ssyncadd.s32 $0xFFFFC000  }
0x78: {  	_ =	swait.ge [sflag:s31], $0x4000  }
0x79: {  	[sflag:s31] =	ssyncset.done $0x0  }
0x7a: {  	[sflag:s31] =	ssyncadd.s32 $0xFFFFC000  }
0x7b: {  	_ =	swait.ge [sflag:s31], $0x4000  }
0x7c: {  	[sflag:s31] =	ssyncset.done $0x0  }
0x7d: {  	[sflag:s31] =	ssyncadd.s32 $0xFFFFC000  }
0x7e: {  	[hbm4b:s15+s2] =	stream.linear.scatter [tilespmem:s24], [sflag:$0x8], $0x8000, $0x38;
	[tilespmem:$0x1E400] =	vst v63  }
0x7f: {  	_ =	swait.ge [sflag:s1], $0x4000  }
0x80: {  	[sflag:s1] =	ssyncset.done $0x0  }
0x81: {  	[sflag:s1] =	ssyncadd.s32 $0xFFFFC000  }
0x82: {  	_ =	swait.ge [sflag:s1], $0x4000  }
0x83: {  	[sflag:s1] =	ssyncset.done $0x0  }
0x84: {  	s18 =	simm.s32 $0x1B00;
	[sflag:s1] =	ssyncadd.s32 $0xFFFFC000  }
0x85: {  	[tilespmem:s29], [sflag:$0x6] =	stream.indirect.gather.add.f32 [hbm:s4], $0x80, s18, s20, $0xb8;
	[tilespmem:$0x1E400] =	vst v63  }
0x86: {  	s19 =	simm.s32 $0x1B80  }
0x87: {  	[tilespmem:s30], [sflag:$0x6] =	stream.indirect.gather.add.f32 [hbm:s4], $0x80, s19, s20, $0xb8;
	[tilespmem:$0x1E400] =	vst v63  }
0x88: {  	s9 =	simm.s32 $0x3400  }
0x89: {  	[tilespmem:s29], [sflag:$0x6] =	stream.indirect.gather.add.f32 [hbm:s5], $0x80, s9, s20, $0xb8;
	[tilespmem:$0x1E400] =	vst v63  }
0x8a: {  	s11 =	simm.s32 $0x3480  }
0x8b: {  	[tilespmem:s30], [sflag:$0x6] =	stream.indirect.gather.add.f32 [hbm:s5], $0x80, s11, s20, $0xb8;
	[tilespmem:$0x1E400] =	vst v63  }
0x8c: {  	s13 =	simm.s32 $0x4D00  }
0x8d: {  	[tilespmem:s29], [sflag:$0x6] =	stream.indirect.gather.add.f32 [hbm:s6], $0x80, s13, s20, $0xb8;
	[tilespmem:$0x1E400] =	vst v63  }
0x8e: {  	s14 =	simm.s32 $0x4D80  }
0x8f: {  	[tilespmem:s30], [sflag:$0x6] =	stream.indirect.gather.add.f32 [hbm:s6], $0x80, s14, s20, $0xb8;
	[tilespmem:$0x1E400] =	vst v63  }
0x90: {  	_ =	swait.ge [sflag:s0], $0x8000  }
0x91: {  	[sflag:s0] =	ssyncset.done $0x0  }
0x92: {  	s18 =	simm.s32 $0x300;
	[sflag:s0] =	ssyncadd.s32 $0xFFFF8000  }
0x93: {  	[tilespmem:s21], [sflag:$0x1] =	stream.indirect.gather [hbm4b:s3+s20], $0x80, s18, s20, $0xb8;
	[tilespmem:$0x1E400] =	vst v63  }
0x94: {  	s19 =	simm.s32 $0x380  }
0x95: {  	[tilespmem:s22], [sflag:$0x1] =	stream.indirect.gather [hbm4b:s3+s20], $0x80, s19, s20, $0xb8;
	[tilespmem:$0x1E400] =	vst v63  }
0x96: {  	_ =	swait.ge [sflag:s17], $0x4000  }
0x97: {  	[sflag:s17] =	ssyncset.done $0x0  }
0x98: {  	[sflag:s17] =	ssyncadd.s32 $0xFFFFC000  }
0x99: {  	_ =	swait.ge [sflag:s17], $0x4000  }
0x9a: {  	[sflag:s17] =	ssyncset.done $0x0  }
0x9b: {  	[sflag:s17] =	ssyncadd.s32 $0xFFFFC000  }
0x9c: {  	_ =	swait.ge [sflag:s17], $0x4000  }
0x9d: {  	[sflag:s17] =	ssyncset.done $0x0  }
0x9e: {  	[sflag:s17] =	ssyncadd.s32 $0xFFFFC000  }
0x9f: {  	_ =	swait.ge [sflag:s17], $0x4000  }
0xa0: {  	[sflag:s17] =	ssyncset.done $0x0  }
0xa1: {  	[sflag:s17] =	ssyncadd.s32 $0xFFFFC000  }
0xa2: {  	_ =	swait.ge [sflag:s17], $0x4000  }
0xa3: {  	[sflag:s17] =	ssyncset.done $0x0  }
0xa4: {  	s8 =	simm.s32 $0xC00;
	[sflag:s17] =	ssyncadd.s32 $0xFFFFC000  }
0xa5: {  	s9 =	sadd.s32 $0x3000, s10;
	s10 =	sadd.s32 $0x3000, s15;
	_ =	swait.ge [sflag:s17], $0x4000  }
0xa6: {  	s11 =	smov.u32 s12;
	s13 =	smov.u32 s12;
	[sflag:s17] =	ssyncset.done $0x0  }
.LBB2_2:
0xa7: {  	[sflag:s17] =	ssyncadd.s32 $0xFFFFC000  }
0xa8: {  	s13 =	sadd.s32 $0x3000, s13;
	s19 =	smov.u32 s8;
	s8 =	sadd.s32 $0xC00, s8  }
0xa9: {  	[hbm4b:s11+s2] =	stream.linear.scatter [tilespmem:s29], [sflag:$0x9], $0x8000, $0x38;
	[tilespmem:$0x1E400] =	vst v63  }
0xaa: {  	p0 =	sne.s32 s8, $0x6000;
	s11 =	smov.u32 s13;
	_ =	swait.ge [sflag:s23], $0x4000  }
0xab: {  	[sflag:s23] =	ssyncset.done $0x0  }
0xac: {  	[sflag:s23] =	ssyncadd.s32 $0xFFFFC000  }
0xad: {  	_ =	swait.ge [sflag:s23], $0x4000  }
0xae: {  	s18 =	sshra.s32 s19, $0x2;
	[sflag:s23] =	ssyncset.done $0x0  }
0xaf: {  	s14 =	sadd.s32 $0x1900, s18;
	[sflag:s23] =	ssyncadd.s32 $0xFFFFC000  }
0xb0: {  	[tilespmem:s21], [sflag:$0x4] =	stream.indirect.gather.add.f32 [hbm:s4], $0x80, s14, s20, $0xb8;
	[tilespmem:$0x1E400] =	vst v63  }
0xb1: {  	s14 =	sadd.s32 $0x1980, s18  }
0xb2: {  	[tilespmem:s22], [sflag:$0x4] =	stream.indirect.gather.add.f32 [hbm:s4], $0x80, s14, s20, $0xb8;
	[tilespmem:$0x1E400] =	vst v63  }
0xb3: {  	s14 =	sadd.s32 $0x3200, s18  }
0xb4: {  	[tilespmem:s21], [sflag:$0x4] =	stream.indirect.gather.add.f32 [hbm:s5], $0x80, s14, s20, $0xb8;
	[tilespmem:$0x1E400] =	vst v63  }
0xb5: {  	s14 =	sadd.s32 $0x3280, s18  }
0xb6: {  	[tilespmem:s22], [sflag:$0x4] =	stream.indirect.gather.add.f32 [hbm:s5], $0x80, s14, s20, $0xb8;
	[tilespmem:$0x1E400] =	vst v63  }
0xb7: {  	s14 =	sadd.s32 $0x4B00, s18  }
0xb8: {  	[tilespmem:s21], [sflag:$0x4] =	stream.indirect.gather.add.f32 [hbm:s6], $0x80, s14, s20, $0xb8;
	[tilespmem:$0x1E400] =	vst v63  }
0xb9: {  	p1 =	seq.s32 s19, $0x0;
	s14 =	sadd.s32 $0x4B80, s18  }
0xba: {  	[tilespmem:s22], [sflag:$0x4] =	stream.indirect.gather.add.f32 [hbm:s6], $0x80, s14, s20, $0xb8;
	[tilespmem:$0x1E400] =	vst v63  }
0xbb: {  	s14 =	simm.s32 @!p1 $0x8  }
0xbc: {  	_ =	swait.ge @!p1 [sflag:s14], $0x8000  }
0xbd: {  	s19 =	sadd.s32 $0x100, s18;
	[sflag:s14] =	ssyncset.done @!p1 $0x0  }
0xbe: {  	[sflag:s14] =	ssyncadd.s32 @!p1 $0xFFFF8000;
	s14 =	sadd.s32 $0x180, s18  }
0xbf: {  	[tilespmem:s24], [sflag:$0x2] =	stream.indirect.gather [hbm4b:s3+s20], $0x80, s19, s20, $0xb8;
	[tilespmem:$0x1E400] =	vst v63  }
0xc0: {  	_ = 	snop  }
0xc1: {  	[tilespmem:s25], [sflag:$0x2] =	stream.indirect.gather [hbm4b:s3+s20], $0x80, s14, s20, $0xb8;
	[tilespmem:$0x1E400] =	vst v63  }
0xc2: {  	_ =	swait.ge [sflag:s26], $0x4000  }
0xc3: {  	[sflag:s26] =	ssyncset.done $0x0  }
0xc4: {  	[sflag:s26] =	ssyncadd.s32 $0xFFFFC000  }
0xc5: {  	_ =	swait.ge [sflag:s26], $0x4000  }
0xc6: {  	[sflag:s26] =	ssyncset.done $0x0  }
0xc7: {  	[sflag:s26] =	ssyncadd.s32 $0xFFFFC000  }
0xc8: {  	_ =	swait.ge [sflag:s26], $0x4000  }
0xc9: {  	[sflag:s26] =	ssyncset.done $0x0  }
0xca: {  	[sflag:s26] =	ssyncadd.s32 $0xFFFFC000  }
0xcb: {  	_ =	swait.ge [sflag:s26], $0x4000  }
0xcc: {  	[sflag:s26] =	ssyncset.done $0x0  }
0xcd: {  	[sflag:s26] =	ssyncadd.s32 $0xFFFFC000  }
0xce: {  	_ =	swait.ge [sflag:s26], $0x4000  }
0xcf: {  	[sflag:s26] =	ssyncset.done $0x0  }
0xd0: {  	[sflag:s26] =	ssyncadd.s32 $0xFFFFC000  }
0xd1: {  	_ =	swait.ge [sflag:s26], $0x4000  }
0xd2: {  	[sflag:s26] =	ssyncset.done $0x0  }
0xd3: {  	[sflag:s26] =	ssyncadd.s32 $0xFFFFC000  }
0xd4: {  	[hbm4b:s9+s2] =	stream.linear.scatter [tilespmem:s21], [sflag:$0x7], $0x8000, $0x38;
	[tilespmem:$0x1E400] =	vst v63  }
0xd5: {  	_ =	swait.ge [sflag:s28], $0x4000  }
0xd6: {  	[sflag:s28] =	ssyncset.done $0x0  }
0xd7: {  	[sflag:s28] =	ssyncadd.s32 $0xFFFFC000  }
0xd8: {  	_ =	swait.ge [sflag:s28], $0x4000  }
0xd9: {  	s14 =	sadd.s32 $0x1A00, s18;
	[sflag:s28] =	ssyncset.done $0x0  }
0xda: {  	s19 =	sadd.s32 $0x1A80, s18;
	[sflag:s28] =	ssyncadd.s32 $0xFFFFC000  }
0xdb: {  	[tilespmem:s24], [sflag:$0x5] =	stream.indirect.gather.add.f32 [hbm:s4], $0x80, s14, s20, $0xb8;
	[tilespmem:$0x1E400] =	vst v63  }
0xdc: {  	s14 =	sadd.s32 $0x3300, s18  }
0xdd: {  	[tilespmem:s25], [sflag:$0x5] =	stream.indirect.gather.add.f32 [hbm:s4], $0x80, s19, s20, $0xb8;
	[tilespmem:$0x1E400] =	vst v63  }
0xde: {  	s19 =	sadd.s32 $0x3380, s18  }
0xdf: {  	[tilespmem:s24], [sflag:$0x5] =	stream.indirect.gather.add.f32 [hbm:s5], $0x80, s14, s20, $0xb8;
	[tilespmem:$0x1E400] =	vst v63  }
0xe0: {  	s14 =	sadd.s32 $0x4C00, s18  }
0xe1: {  	[tilespmem:s25], [sflag:$0x5] =	stream.indirect.gather.add.f32 [hbm:s5], $0x80, s19, s20, $0xb8;
	[tilespmem:$0x1E400] =	vst v63  }
0xe2: {  	s19 =	sadd.s32 $0x4C80, s18  }
0xe3: {  	[tilespmem:s24], [sflag:$0x5] =	stream.indirect.gather.add.f32 [hbm:s6], $0x80, s14, s20, $0xb8;
	[tilespmem:$0x1E400] =	vst v63  }
0xe4: {  	s14 =	simm.s32 @!p1 $0x9  }
0xe5: {  	[tilespmem:s25], [sflag:$0x5] =	stream.indirect.gather.add.f32 [hbm:s6], $0x80, s19, s20, $0xb8;
	[tilespmem:$0x1E400] =	vst v63  }
0xe6: {  	_ =	swait.ge @!p1 [sflag:s14], $0x8000  }
0xe7: {  	s19 =	sadd.s32 $0x200, s18;
	[sflag:s14] =	ssyncset.done @!p1 $0x0  }
0xe8: {  	[sflag:s14] =	ssyncadd.s32 @!p1 $0xFFFF8000;
	s14 =	sadd.s32 $0x280, s18  }
0xe9: {  	[tilespmem:s29], [sflag:$0x3] =	stream.indirect.gather [hbm4b:s3+s20], $0x80, s19, s20, $0xb8;
	[tilespmem:$0x1E400] =	vst v63  }
0xea: {  	_ = 	snop  }
0xeb: {  	[tilespmem:s30], [sflag:$0x3] =	stream.indirect.gather [hbm4b:s3+s20], $0x80, s14, s20, $0xb8;
	[tilespmem:$0x1E400] =	vst v63  }
0xec: {  	_ =	swait.ge [sflag:s31], $0x4000  }
0xed: {  	[sflag:s31] =	ssyncset.done $0x0  }
0xee: {  	[sflag:s31] =	ssyncadd.s32 $0xFFFFC000  }
0xef: {  	_ =	swait.ge [sflag:s31], $0x4000  }
0xf0: {  	[sflag:s31] =	ssyncset.done $0x0  }
0xf1: {  	[sflag:s31] =	ssyncadd.s32 $0xFFFFC000  }
0xf2: {  	_ =	swait.ge [sflag:s31], $0x4000  }
0xf3: {  	[sflag:s31] =	ssyncset.done $0x0  }
0xf4: {  	[sflag:s31] =	ssyncadd.s32 $0xFFFFC000  }
0xf5: {  	_ =	swait.ge [sflag:s31], $0x4000  }
0xf6: {  	[sflag:s31] =	ssyncset.done $0x0  }
0xf7: {  	[sflag:s31] =	ssyncadd.s32 $0xFFFFC000  }
0xf8: {  	_ =	swait.ge [sflag:s31], $0x4000  }
0xf9: {  	[sflag:s31] =	ssyncset.done $0x0  }
0xfa: {  	[sflag:s31] =	ssyncadd.s32 $0xFFFFC000  }
0xfb: {  	_ =	swait.ge [sflag:s31], $0x4000  }
0xfc: {  	[sflag:s31] =	ssyncset.done $0x0  }
0xfd: {  	[sflag:s31] =	ssyncadd.s32 $0xFFFFC000  }
0xfe: {  	[hbm4b:s10+s2] =	stream.linear.scatter [tilespmem:s24], [sflag:$0x8], $0x8000, $0x38;
	[tilespmem:$0x1E400] =	vst v63  }
0xff: {  	_ =	swait.ge [sflag:s1], $0x4000  }
0x100: {  	[sflag:s1] =	ssyncset.done $0x0  }
0x101: {  	[sflag:s1] =	ssyncadd.s32 $0xFFFFC000  }
0x102: {  	_ =	swait.ge [sflag:s1], $0x4000  }
0x103: {  	s14 =	sadd.s32 $0x1B00, s18;
	[sflag:s1] =	ssyncset.done $0x0  }
0x104: {  	s19 =	sadd.s32 $0x1B80, s18;
	[sflag:s1] =	ssyncadd.s32 $0xFFFFC000  }
0x105: {  	[tilespmem:s29], [sflag:$0x6] =	stream.indirect.gather.add.f32 [hbm:s4], $0x80, s14, s20, $0xb8;
	[tilespmem:$0x1E400] =	vst v63  }
0x106: {  	s14 =	sadd.s32 $0x3400, s18  }
0x107: {  	[tilespmem:s30], [sflag:$0x6] =	stream.indirect.gather.add.f32 [hbm:s4], $0x80, s19, s20, $0xb8;
	[tilespmem:$0x1E400] =	vst v63  }
0x108: {  	s19 =	sadd.s32 $0x3480, s18  }
0x109: {  	[tilespmem:s29], [sflag:$0x6] =	stream.indirect.gather.add.f32 [hbm:s5], $0x80, s14, s20, $0xb8;
	[tilespmem:$0x1E400] =	vst v63  }
0x10a: {  	s14 =	sadd.s32 $0x4D00, s18  }
0x10b: {  	[tilespmem:s30], [sflag:$0x6] =	stream.indirect.gather.add.f32 [hbm:s5], $0x80, s19, s20, $0xb8;
	[tilespmem:$0x1E400] =	vst v63  }
0x10c: {  	s19 =	sadd.s32 $0x4D80, s18  }
0x10d: {  	[tilespmem:s29], [sflag:$0x6] =	stream.indirect.gather.add.f32 [hbm:s6], $0x80, s14, s20, $0xb8;
	[tilespmem:$0x1E400] =	vst v63  }
0x10e: {  	_ = 	snop  }
0x10f: {  	[tilespmem:s30], [sflag:$0x6] =	stream.indirect.gather.add.f32 [hbm:s6], $0x80, s19, s20, $0xb8;
	[tilespmem:$0x1E400] =	vst v63  }
0x110: {  	_ =	swait.ge [sflag:s0], $0x8000  }
0x111: {  	s14 =	sadd.s32 $0x300, s18;
	[sflag:s0] =	ssyncset.done $0x0  }
0x112: {  	s18 =	sadd.s32 $0x380, s18;
	[sflag:s0] =	ssyncadd.s32 $0xFFFF8000  }
0x113: {  	[tilespmem:s21], [sflag:$0x1] =	stream.indirect.gather [hbm4b:s3+s20], $0x80, s14, s20, $0xb8;
	[tilespmem:$0x1E400] =	vst v63  }
0x114: {  	_ = 	snop  }
0x115: {  	[tilespmem:s22], [sflag:$0x1] =	stream.indirect.gather [hbm4b:s3+s20], $0x80, s18, s20, $0xb8;
	[tilespmem:$0x1E400] =	vst v63  }
0x116: {  	_ =	swait.ge [sflag:s17], $0x4000  }
0x117: {  	[sflag:s17] =	ssyncset.done $0x0  }
0x118: {  	[sflag:s17] =	ssyncadd.s32 $0xFFFFC000  }
0x119: {  	_ =	swait.ge [sflag:s17], $0x4000  }
0x11a: {  	[sflag:s17] =	ssyncset.done $0x0  }
0x11b: {  	[sflag:s17] =	ssyncadd.s32 $0xFFFFC000  }
0x11c: {  	_ =	swait.ge [sflag:s17], $0x4000  }
0x11d: {  	[sflag:s17] =	ssyncset.done $0x0  }
0x11e: {  	[sflag:s17] =	ssyncadd.s32 $0xFFFFC000  }
0x11f: {  	_ =	swait.ge [sflag:s17], $0x4000  }
0x120: {  	[sflag:s17] =	ssyncset.done $0x0  }
0x121: {  	[sflag:s17] =	ssyncadd.s32 $0xFFFFC000  }
.Ltmp0:
0x122: {  	_ =	swait.ge [sflag:s17], $0x4000;
	(pc) =	sbr.rel @p0 .LBB2_2-.Ltmp0, $4  }
0x123: {  	[sflag:s17] =	ssyncset.done $0x0  }
0x124: {  	[sflag:s17] =	ssyncadd.s32 $0xFFFFC000  }
0x125: {  	_ =	swait.ge [sflag:s17], $0x4000  }
0x126: {  	s9 =	sadd.s32 $0x3000, s9;
	s10 =	sadd.s32 $0x3000, s10;
	[sflag:s17] =	ssyncset.done $0x0  }
0x127: {  	[sflag:s17] =	ssyncadd.s32 $0xFFFFC000  }
0x128: {  	[hbm4b:s11+s2] =	stream.linear.scatter [tilespmem:s29], [sflag:$0x9], $0x8000, $0x38;
	[tilespmem:$0x1E400] =	vst v63  }
0x129: {  	_ =	swait.ge [sflag:s23], $0x4000  }
0x12a: {  	[sflag:s23] =	ssyncset.done $0x0  }
0x12b: {  	[sflag:s23] =	ssyncadd.s32 $0xFFFFC000  }
0x12c: {  	_ =	swait.ge [sflag:s23], $0x4000  }
0x12d: {  	[sflag:s23] =	ssyncset.done $0x0  }
0x12e: {  	s8 =	simm.s32 $0x3100;
	[sflag:s23] =	ssyncadd.s32 $0xFFFFC000  }
0x12f: {  	[tilespmem:s21], [sflag:$0x4] =	stream.indirect.gather.add.f32 [hbm:s4], $0x80, s8, s20, $0xb8;
	[tilespmem:$0x1E400] =	vst v63  }
0x130: {  	s18 =	simm.s32 $0x3180  }
0x131: {  	[tilespmem:s22], [sflag:$0x4] =	stream.indirect.gather.add.f32 [hbm:s4], $0x80, s18, s20, $0xb8;
	[tilespmem:$0x1E400] =	vst v63  }
0x132: {  	s19 =	simm.s32 $0x4A00  }
0x133: {  	[tilespmem:s21], [sflag:$0x4] =	stream.indirect.gather.add.f32 [hbm:s5], $0x80, s19, s20, $0xb8;
	[tilespmem:$0x1E400] =	vst v63  }
0x134: {  	s9 =	simm.s32 $0x4A80  }
0x135: {  	[tilespmem:s22], [sflag:$0x4] =	stream.indirect.gather.add.f32 [hbm:s5], $0x80, s9, s20, $0xb8;
	[tilespmem:$0x1E400] =	vst v63  }
0x136: {  	s10 =	simm.s32 $0x6300  }
0x137: {  	[tilespmem:s21], [sflag:$0x4] =	stream.indirect.gather.add.f32 [hbm:s6], $0x80, s10, s20, $0xb8;
	[tilespmem:$0x1E400] =	vst v63  }
0x138: {  	s13 =	simm.s32 $0x8;
	s11 =	simm.s32 $0x6380  }
0x139: {  	[tilespmem:s22], [sflag:$0x4] =	stream.indirect.gather.add.f32 [hbm:s6], $0x80, s11, s20, $0xb8;
	[tilespmem:$0x1E400] =	vst v63  }
0x13a: {  	_ =	swait.ge [sflag:s13], $0x8000  }
0x13b: {  	[sflag:s13] =	ssyncset.done $0x0  }
0x13c: {  	s14 =	simm.s32 $0x9;
	[sflag:s13] =	ssyncadd.s32 $0xFFFF8000  }
0x13d: {  	_ =	swait.ge [sflag:s14], $0x8000  }
0x13e: {  	[sflag:s14] =	ssyncset.done $0x0  }
0x13f: {  	[sflag:s14] =	ssyncadd.s32 $0xFFFF8000  }
0x140: {  	_ =	swait.ge [sflag:s26], $0x4000  }
0x141: {  	[sflag:s26] =	ssyncset.done $0x0  }
0x142: {  	[sflag:s26] =	ssyncadd.s32 $0xFFFFC000  }
0x143: {  	_ =	swait.ge [sflag:s26], $0x4000  }
0x144: {  	[sflag:s26] =	ssyncset.done $0x0  }
0x145: {  	[sflag:s26] =	ssyncadd.s32 $0xFFFFC000  }
0x146: {  	_ =	swait.ge [sflag:s26], $0x4000  }
0x147: {  	[sflag:s26] =	ssyncset.done $0x0  }
0x148: {  	[sflag:s26] =	ssyncadd.s32 $0xFFFFC000  }
0x149: {  	_ =	swait.ge [sflag:s26], $0x4000  }
0x14a: {  	[sflag:s26] =	ssyncset.done $0x0  }
0x14b: {  	[sflag:s26] =	ssyncadd.s32 $0xFFFFC000  }
0x14c: {  	_ =	swait.ge [sflag:s26], $0x4000  }
0x14d: {  	[sflag:s26] =	ssyncset.done $0x0  }
0x14e: {  	[sflag:s26] =	ssyncadd.s32 $0xFFFFC000  }
0x14f: {  	_ =	swait.ge [sflag:s26], $0x4000  }
0x150: {  	[sflag:s26] =	ssyncset.done $0x0  }
0x151: {  	s18 =	rddreg [dreg:$0x7];
	[sflag:s26] =	ssyncadd.s32 $0xFFFFC000  }
0x152: {  	[hbm4b:s18+s2] =	stream.linear.scatter [tilespmem:s21], [sflag:$0x7], $0x8000, $0x38;
	[tilespmem:$0x1E400] =	vst v63  }
0x153: {  	_ =	swait.ge [sflag:s0], $0x8000  }
0x154: {  	s7 =	sadd.s32 $0x1, s7;
	s19 =	rddreg [dreg:$0x8]  }
0x155: {  	p0 =	sne.s32 s7, s19  }
.Ltmp1:
0x156: {  	_ = 	snop;
	(pc) =	sbr.rel @p0 .LBB2_1-.Ltmp1, $3  }
0x157: {  	_ =	sdelay $0x1  }
0x158: {  	[sflag:s0] =	ssyncset.done $0x0  }
0x159: {  	[sflag:s0] =	ssyncadd.s32 $0xFFFF8000  }
0x15a: {  	_ =	sfence.sel $0x180000  }
0x15b: {  	[bflag:$0x0] =	sbarrier.arrive $0xFFFF  }
0x15c: {  	_ =	strace $0x90000047  }
0x15d: {  	s0 =	stileid.u32;
	[bflag:$0x2] =	sbarrier.arrive $0xFFFF  }
0x15e: {  	p0 =	sne.s32 s0, $0x0;
	s0 =	rddreg [dreg:$0x2]  }
0x15f: {  	s0 =	sadd.s32 @!p0 $0x100000, s0  }
0x160: {  	[sflag:s0] =	ssyncadd.tile.s32 @!p0 $0x1;
	_ =	shalt  }
.Lfunc_end2:
_tile_overlayer_lowered:
.L_overlay_start_2:
0x161: {  	(tag) =	ssettag $0x2  }
0x162: {  	s0 =	rddreg [dreg:$0x0];
	s2 =	stileid.u32  }
0x163: {  	s1 =	rddreg [dreg:$0x1];
	p0 =	sne.s32 s2, $0x0  }
0x164: {  	s3 =	rddreg [dreg:$0x2];
	[bflag:$0x3] =	sbarrier.arrive $0xFFFF;
	s2 =	simm.s32 @!p0 $0x1C0A  }
0x165: {  	[timem:s3], [sflag:s2] =	dma.local @!p0 [hbm:s0], s1  }
0x166: {  	s0 =	simm.s32 @!p0 $0xA  }
0x167: {  	_ =	swait.ge @!p0 [sflag:s0], s1  }
0x168: {  	s1 =	ssub.s32 @!p0 $0x0, s1;
	[sflag:s0] =	ssyncset.done @!p0 $0x0  }
0x169: {  	[sflag:s0] =	ssyncadd.s32 @!p0 s1  }
0x16a: {  	[bflag:$0x3] =	sbarrier.arrive $0xFFFF  }
0x16b: {  	_ =	shalt  }

</sc_bundles>
